<compile_context>
chip_gen: v7x
topology: tpu7x:2x2x1
jax: 0.10.2.dev20260603
libtpu: 0.0.44.dev20260713+nightly
codegen_flags: <defaults>
</compile_context>

<pallas_src>
import functools

import jax
import jax.numpy as jnp
from jax import lax
from jax.experimental import pallas as pl
from jax.experimental.pallas import tpu as pltpu
from jax.experimental.pallas import tpu_sc as plsc

SEQ = 200
BATCH = 4096
D = 32
BPW = 128


def _make_kernel():
  info = plsc.get_sparse_core_info()
  nc, ns = info.num_cores, info.num_subcores
  nw = nc * ns
  assert BPW * nw == BATCH
  n2 = SEQ // 2

  mesh = plsc.VectorSubcoreMesh(core_axis_name="c", subcore_axis_name="s")

  @functools.partial(
      pl.kernel,
      mesh=mesh,
      compiler_params=pltpu.CompilerParams(use_tc_tiling_on_sc=False,
                                           needs_layout_passes=False),
      out_type=jax.ShapeDtypeStruct((SEQ, D // 8, BATCH // BPW, 8, BPW),
                                    jnp.float32),
      scratch_types=[
          pltpu.VMEM((SEQ, BPW), jnp.int32),
          pltpu.VMEM((BPW, D), jnp.float32),
          pltpu.VMEM((BPW, D), jnp.float32),
          pltpu.VMEM((D, BPW), jnp.float32),
          pltpu.VMEM((D, BPW), jnp.float32),
          pltpu.SemaphoreType.DMA,
          pltpu.SemaphoreType.DMA,
          pltpu.SemaphoreType.DMA,
          pltpu.SemaphoreType.DMA,
      ],
  )
  def gather_kernel(emb_hbm, xt_hbm, out_hbm, idx_v,
                    rows_v0, rows_v1, tiles_v0, tiles_v1,
                    sg0, sg1, sw0, sw1):
    wid = lax.axis_index("s") * nc + lax.axis_index("c")
    b0 = wid * BPW

    pltpu.sync_copy(xt_hbm.at[:, pl.ds(b0, BPW)], idx_v)

    iota = lax.iota(jnp.int32, 16)
    c31 = jnp.full((16,), 31, jnp.int32)
    c7 = jnp.full((16,), 7, jnp.int32)

    def fire_g(rows_v, sem, l):
      pltpu.async_copy(emb_hbm.at[idx_v.at[l]], rows_v, sem)

    def drain_g(rows_v, sem, l):
      pltpu.make_async_copy(emb_hbm.at[idx_v.at[l]], rows_v, sem).wait()

    def fire_w(tiles_v, sem, l):
      for dt in range(D // 8):
        pltpu.async_copy(tiles_v.at[pl.ds(8 * dt, 8)], out_hbm.at[l, dt, wid],
                         sem)

    def drain_w(tiles_v, sem, l):
      for dt in range(D // 8):
        pltpu.make_async_copy(tiles_v.at[pl.ds(8 * dt, 8)],
                              out_hbm.at[l, dt, wid], sem).wait()

    m_ks = [iota + jnp.full((16,), 16 * k, jnp.int32)
            for k in range(BPW // 16)]

    def transpose(rows_v, tiles_v):
      def cbody(c4, carry):
        base = jnp.broadcast_to(4 * c4, (16,)).astype(jnp.int32) + iota
        for u in range(4):
          d = lax.bitwise_and(base + jnp.full((16,), u, jnp.int32), c31)
          for k in range(BPW // 16):
            x16 = plsc.load_gather(rows_v, [m_ks[k], d])
            plsc.store_scatter(tiles_v, [d, m_ks[k]], x16)
        return carry
      lax.fori_loop(0, D // 4, cbody, 0)

    fire_g(rows_v0, sg0, 0)
    fire_g(rows_v1, sg1, 1)

    def body(g, carry):
      l0 = 2 * g

      drain_g(rows_v0, sg0, l0)
      @pl.when(g > 0)
      def _():
        drain_w(tiles_v0, sw0, l0 - 2)
      transpose(rows_v0, tiles_v0)
      fire_w(tiles_v0, sw0, l0)
      @pl.when(g < n2 - 1)
      def _():
        fire_g(rows_v0, sg0, l0 + 2)

      drain_g(rows_v1, sg1, l0 + 1)
      @pl.when(g > 0)
      def _():
        drain_w(tiles_v1, sw1, l0 - 1)
      transpose(rows_v1, tiles_v1)
      fire_w(tiles_v1, sw1, l0 + 1)
      @pl.when(g < n2 - 1)
      def _():
        fire_g(rows_v1, sg1, l0 + 3)
      return carry

    lax.fori_loop(0, n2, body, 0)

    drain_w(tiles_v0, sw0, SEQ - 2)
    drain_w(tiles_v1, sw1, SEQ - 1)

  return gather_kernel


_gather = _make_kernel()


def kernel(x, hidden, emb):
  del hidden
  xt = jnp.transpose(x.astype(jnp.int32))
  out5 = _gather(emb, xt)
  out6 = jnp.transpose(out5, (0, 2, 4, 1, 3))
  return out6.reshape(SEQ, BATCH, D)

# --- scband reference (transcript-rebuilt; emitter-appended) ---
"""Pipeline reference for scband-char-rnn-16801912062006 (READ-ONLY COPY).

The authoritative reference and input builder live on the scoring server;
editing this copy changes nothing except your own understanding.
"""

import jax, jax.numpy as jnp
import numpy as np

VOCAB = 1000000
EMBED_DIM = 32
BATCH = 4096
SEQ = 200
HIDDEN = 64

def setup_inputs(seed: int = 0) -> dict:
    key = jax.random.key(seed)
    k1, k2 = jax.random.split(key)
    x = jax.random.randint(k1, (BATCH, SEQ), 0, VOCAB, dtype=jnp.int64 if jax.config.jax_enable_x64 else jnp.int32)
    hidden = jnp.zeros((BATCH, HIDDEN), dtype=jnp.float32)
    emb = jax.random.normal(k2, (VOCAB, EMBED_DIM), dtype=jnp.float32) * 0.02
    return {"x": x, "hidden": hidden, "emb": emb}

def reference(x, hidden, emb):
    # Faithful translation of the executable part of CharRNN.forward:
    #   x_embed = self.embedding(x)           -> gather from embedding table
    #   x_embed = x_embed.transpose(0, 1)     -> [L, B, D]
    # The subsequent loop is a no-op in the original (body is `pass`) and
    # torch.stack([]) would raise; logits/final_hidden are None. The only
    # real computation is the embedding lookup, so we return the transposed
    # embedded sequence as the forward output.
    x_embed = jnp.take(emb, x, axis=0)          # [B, L, D]
    x_embed = jnp.transpose(x_embed, (1, 0, 2))  # [L, B, D]
    # hidden is consumed (h_t_minus_1 = hidden) but never affects output.
    return x_embed

if __name__ == "__main__":
    import jax
    _d = setup_inputs()
    print(jax.jit(kernel)(*tuple(_d.values())))

</pallas_src>

<mosaic_0001>
#map = affine_map<(d0, d1) -> (0, 0)>
#map1 = affine_map<(d0, d1) -> (0, 0, 0, 0, 0)>
module attributes {stable_mosaic.version = 14 : i64} {
  func.func @gather_kernel(%arg0: i32, %arg1: i32, %arg2: memref<1000000x32xf32, #tpu.memory_space<hbm>>, %arg3: memref<200x4096xi32, #tpu.memory_space<hbm>>, %arg4: memref<200x4x32x8x128xf32, #tpu.memory_space<hbm>>, %arg5: memref<200x128xi32, #tpu.memory_space<vmem>>, %arg6: memref<128x32xf32, #tpu.memory_space<vmem>>, %arg7: memref<128x32xf32, #tpu.memory_space<vmem>>, %arg8: memref<32x128xf32, #tpu.memory_space<vmem>>, %arg9: memref<32x128xf32, #tpu.memory_space<vmem>>, %arg10: memref<!tpu.dma_semaphore, #tpu.memory_space<semaphore_mem>>, %arg11: memref<!tpu.dma_semaphore, #tpu.memory_space<semaphore_mem>>, %arg12: memref<!tpu.dma_semaphore, #tpu.memory_space<semaphore_mem>>, %arg13: memref<!tpu.dma_semaphore, #tpu.memory_space<semaphore_mem>>) attributes {dimension_semantics = [#tpu.dimension_semantics<core_parallel>, #tpu.dimension_semantics<subcore_parallel>], iteration_bounds = array<i64: 2, 16>, scalar_prefetch = 0 : i64, scratch_operands = 9 : i64, tpu.core_type = #tpu.core_type<sc_vector_subcore>, window_params = [{transform_indices = #map}, {transform_indices = #map}, {transform_indices = #map1}]} {
    %mul3A = arith.constant 2 : i32
    %mul3A_0 = arith.muli %arg1, %mul3A : i32
    %add3A = arith.addi %mul3A_0, %arg0 : i32
    %mul3A_1 = arith.constant 128 : i32
    %mul3A_2 = arith.muli %add3A, %mul3A_1 : i32
    "tpu.region"() ({
      %run_scoped3A = tpu.sem_alloc : memref<!tpu.dma_semaphore, #tpu.memory_space<semaphore_mem>>
      %dma_start3A_175 = arith.constant 0 : i32
      %dma_start3A_176 = tpu.memref_slice %arg3[%dma_start3A_175, %mul3A_2] : memref<200x4096xi32, #tpu.memory_space<hbm>> -> memref<200x128xi32, #tpu.memory_space<hbm>>
      %dma_start3A_177 = arith.constant 0 : i32
      %dma_start3A_178 = tpu.memref_slice %arg3[%dma_start3A_177, %mul3A_2] : memref<200x4096xi32, #tpu.memory_space<hbm>> -> memref<200x128xi32, #tpu.memory_space<hbm>>
      tpu.enqueue_dma source(%dma_start3A_178 : memref<200x128xi32, #tpu.memory_space<hbm>>) target(%arg5 : memref<200x128xi32, #tpu.memory_space<vmem>>) target_semaphore(%run_scoped3A : memref<!tpu.dma_semaphore, #tpu.memory_space<semaphore_mem>>)
      %dma_wait3A_179 = arith.constant 0 : i32
      %dma_wait3A_180 = tpu.memref_slice %arg3[%dma_wait3A_179, %mul3A_2] : memref<200x4096xi32, #tpu.memory_space<hbm>> -> memref<200x128xi32, #tpu.memory_space<hbm>>
      %dma_wait3A_181 = arith.constant 0 : i32
      %dma_wait3A_182 = tpu.memref_slice %arg3[%dma_wait3A_181, %mul3A_2] : memref<200x4096xi32, #tpu.memory_space<hbm>> -> memref<200x128xi32, #tpu.memory_space<hbm>>
      tpu.wait_dma2 semaphore(%run_scoped3A : memref<!tpu.dma_semaphore, #tpu.memory_space<semaphore_mem>>) src(%dma_wait3A_182 : memref<200x128xi32, #tpu.memory_space<hbm>>) dst(%arg5 : memref<200x128xi32, #tpu.memory_space<vmem>>)
      tpu.yield
    }) : () -> ()
    %iota3A = tpu.iota {dimensions = array<i32: 0>} : vector<16xi32>
    %broadcast_in_dim3A = arith.constant 31 : i32
    %broadcast_in_dim3A_3 = vector.broadcast %broadcast_in_dim3A : i32 to vector<16xi32>
    %broadcast_in_dim3A_4 = arith.constant 7 : i32
    %broadcast_in_dim3A_5 = vector.broadcast %broadcast_in_dim3A_4 : i32 to vector<16xi32>
    %broadcast_in_dim3A_6 = arith.constant 0 : i32
    %broadcast_in_dim3A_7 = vector.broadcast %broadcast_in_dim3A_6 : i32 to vector<16xi32>
    %add3A_8 = arith.addi %iota3A, %broadcast_in_dim3A_7 : vector<16xi32>
    %broadcast_in_dim3A_9 = arith.constant 16 : i32
    %broadcast_in_dim3A_10 = vector.broadcast %broadcast_in_dim3A_9 : i32 to vector<16xi32>
    %add3A_11 = arith.addi %iota3A, %broadcast_in_dim3A_10 : vector<16xi32>
    %broadcast_in_dim3A_12 = arith.constant 32 : i32
    %broadcast_in_dim3A_13 = vector.broadcast %broadcast_in_dim3A_12 : i32 to vector<16xi32>
    %add3A_14 = arith.addi %iota3A, %broadcast_in_dim3A_13 : vector<16xi32>
    %broadcast_in_dim3A_15 = arith.constant 48 : i32
    %broadcast_in_dim3A_16 = vector.broadcast %broadcast_in_dim3A_15 : i32 to vector<16xi32>
    %add3A_17 = arith.addi %iota3A, %broadcast_in_dim3A_16 : vector<16xi32>
    %broadcast_in_dim3A_18 = arith.constant 64 : i32
    %broadcast_in_dim3A_19 = vector.broadcast %broadcast_in_dim3A_18 : i32 to vector<16xi32>
    %add3A_20 = arith.addi %iota3A, %broadcast_in_dim3A_19 : vector<16xi32>
    %broadcast_in_dim3A_21 = arith.constant 80 : i32
    %broadcast_in_dim3A_22 = vector.broadcast %broadcast_in_dim3A_21 : i32 to vector<16xi32>
    %add3A_23 = arith.addi %iota3A, %broadcast_in_dim3A_22 : vector<16xi32>
    %broadcast_in_dim3A_24 = arith.constant 96 : i32
    %broadcast_in_dim3A_25 = vector.broadcast %broadcast_in_dim3A_24 : i32 to vector<16xi32>
    %add3A_26 = arith.addi %iota3A, %broadcast_in_dim3A_25 : vector<16xi32>
    %broadcast_in_dim3A_27 = arith.constant 112 : i32
    %broadcast_in_dim3A_28 = vector.broadcast %broadcast_in_dim3A_27 : i32 to vector<16xi32>
    %add3A_29 = arith.addi %iota3A, %broadcast_in_dim3A_28 : vector<16xi32>
    %dma_start3A = arith.constant 0 : i32
    %dma_start3A_30 = arith.constant 0 : i32
    %dma_start3A_31 = tpu.memref_slice %arg5[%dma_start3A, %dma_start3A_30] : memref<200x128xi32, #tpu.memory_space<vmem>> -> memref<1x128xi32, #tpu.memory_space<vmem>>
    %dma_start3A_32 = tpu.memref_squeeze %dma_start3A_31 : memref<1x128xi32, #tpu.memory_space<vmem>> -> memref<128xi32, #tpu.memory_space<vmem>>
    %dma_start3A_33 = arith.constant 0 : i32
    %dma_start3A_34 = arith.constant 0 : i32
    %dma_start3A_35 = tpu.memref_slice %arg2[%dma_start3A_33, %dma_start3A_34] : memref<1000000x32xf32, #tpu.memory_space<hbm>> -> memref<1000000x32xf32, #tpu.memory_space<hbm>>
    tpu.enqueue_indirect_dma source(%dma_start3A_35 : memref<1000000x32xf32, #tpu.memory_space<hbm>>) target(%arg6 : memref<128x32xf32, #tpu.memory_space<vmem>>) offsets(%dma_start3A_32 : memref<128xi32, #tpu.memory_space<vmem>>) semaphore(%arg10 : memref<!tpu.dma_semaphore, #tpu.memory_space<semaphore_mem>>)
    %dma_start3A_36 = arith.constant 1 : i32
    %dma_start3A_37 = arith.constant 0 : i32
    %dma_start3A_38 = tpu.memref_slice %arg5[%dma_start3A_36, %dma_start3A_37] : memref<200x128xi32, #tpu.memory_space<vmem>> -> memref<1x128xi32, #tpu.memory_space<vmem>>
    %dma_start3A_39 = tpu.memref_squeeze %dma_start3A_38 : memref<1x128xi32, #tpu.memory_space<vmem>> -> memref<128xi32, #tpu.memory_space<vmem>>
    %dma_start3A_40 = arith.constant 0 : i32
    %dma_start3A_41 = arith.constant 0 : i32
    %dma_start3A_42 = tpu.memref_slice %arg2[%dma_start3A_40, %dma_start3A_41] : memref<1000000x32xf32, #tpu.memory_space<hbm>> -> memref<1000000x32xf32, #tpu.memory_space<hbm>>
    tpu.enqueue_indirect_dma source(%dma_start3A_42 : memref<1000000x32xf32, #tpu.memory_space<hbm>>) target(%arg7 : memref<128x32xf32, #tpu.memory_space<vmem>>) offsets(%dma_start3A_39 : memref<128xi32, #tpu.memory_space<vmem>>) semaphore(%arg11 : memref<!tpu.dma_semaphore, #tpu.memory_space<semaphore_mem>>)
    %scan3A = arith.constant 0 : i32
    %scan3A_43 = arith.constant 0 : i32
    %scan3A_44 = arith.constant 100 : i32
    %scan3A_45 = arith.addi %scan3A_43, %scan3A_44 : i32
    %scan3A_46 = arith.constant 1 : i32
    scf.for %scan3A_175 = %scan3A_43 to %scan3A_45 step %scan3A_46  : i32 {
      %mul3A_176 = arith.constant 2 : i32
      %mul3A_177 = arith.muli %mul3A_176, %scan3A_175 : i32
      %dma_wait3A_178 = arith.constant 0 : i32
      %dma_wait3A_179 = tpu.memref_slice %arg5[%mul3A_177, %dma_wait3A_178] : memref<200x128xi32, #tpu.memory_space<vmem>> -> memref<1x128xi32, #tpu.memory_space<vmem>>
      %dma_wait3A_180 = tpu.memref_squeeze %dma_wait3A_179 : memref<1x128xi32, #tpu.memory_space<vmem>> -> memref<128xi32, #tpu.memory_space<vmem>>
      %dma_wait3A_181 = arith.constant 0 : i32
      %dma_wait3A_182 = arith.constant 0 : i32
      %dma_wait3A_183 = tpu.memref_slice %arg2[%dma_wait3A_181, %dma_wait3A_182] : memref<1000000x32xf32, #tpu.memory_space<hbm>> -> memref<1000000x32xf32, #tpu.memory_space<hbm>>
      tpu.wait_indirect_dma semaphore(%arg10 : memref<!tpu.dma_semaphore, #tpu.memory_space<semaphore_mem>>) src(%dma_wait3A_183 : memref<1000000x32xf32, #tpu.memory_space<hbm>>) dst(%arg6 : memref<128x32xf32, #tpu.memory_space<vmem>>)
      %gt3A = arith.constant 0 : i32
      %gt3A_184 = arith.cmpi sgt, %scan3A_175, %gt3A : i32
      %convert_element_type3A = arith.extui %gt3A_184 : i1 to i32
      %cond3A = arith.constant 0 : i32
      %cond3A_185 = arith.cmpi ne, %convert_element_type3A, %cond3A : i32
      scf.if %cond3A_185 {
        %sub3A = arith.constant 2 : i32
        %sub3A_342 = arith.subi %mul3A_177, %sub3A : i32
        %dma_wait3A_343 = arith.constant 0 : i32
        %dma_wait3A_344 = arith.constant 0 : i32
        %dma_wait3A_345 = arith.constant 0 : i32
        %dma_wait3A_346 = tpu.memref_slice %arg8[%dma_wait3A_344, %dma_wait3A_345] : memref<32x128xf32, #tpu.memory_space<vmem>> -> memref<8x128xf32, #tpu.memory_space<vmem>>
        %dma_wait3A_347 = arith.constant 0 : i32
        %dma_wait3A_348 = arith.constant 0 : i32
        %dma_wait3A_349 = tpu.memref_slice %arg4[%sub3A_342, %dma_wait3A_343, %add3A, %dma_wait3A_347, %dma_wait3A_348] : memref<200x4x32x8x128xf32, #tpu.memory_space<hbm>> -> memref<1x1x1x8x128xf32, #tpu.memory_space<hbm>>
        %dma_wait3A_350 = tpu.memref_squeeze %dma_wait3A_349 : memref<1x1x1x8x128xf32, #tpu.memory_space<hbm>> -> memref<8x128xf32, #tpu.memory_space<hbm>>
        %dma_wait3A_351 = arith.constant 0 : i32
        %dma_wait3A_352 = arith.constant 0 : i32
        %dma_wait3A_353 = tpu.memref_slice %arg4[%sub3A_342, %dma_wait3A_343, %add3A, %dma_wait3A_351, %dma_wait3A_352] : memref<200x4x32x8x128xf32, #tpu.memory_space<hbm>> -> memref<1x1x1x8x128xf32, #tpu.memory_space<hbm>>
        %dma_wait3A_354 = tpu.memref_squeeze %dma_wait3A_353 : memref<1x1x1x8x128xf32, #tpu.memory_space<hbm>> -> memref<8x128xf32, #tpu.memory_space<hbm>>
        %dma_wait3A_355 = arith.constant 0 : i32
        %dma_wait3A_356 = arith.constant 0 : i32
        %dma_wait3A_357 = tpu.memref_slice %arg8[%dma_wait3A_355, %dma_wait3A_356] : memref<32x128xf32, #tpu.memory_space<vmem>> -> memref<8x128xf32, #tpu.memory_space<vmem>>
        tpu.wait_dma2 semaphore(%arg12 : memref<!tpu.dma_semaphore, #tpu.memory_space<semaphore_mem>>) src(%dma_wait3A_357 : memref<8x128xf32, #tpu.memory_space<vmem>>) dst(%dma_wait3A_354 : memref<8x128xf32, #tpu.memory_space<hbm>>)
        %dma_wait3A_358 = arith.constant 1 : i32
        %dma_wait3A_359 = arith.constant 8 : i32
        %dma_wait3A_360 = arith.constant 0 : i32
        %dma_wait3A_361 = tpu.memref_slice %arg8[%dma_wait3A_359, %dma_wait3A_360] : memref<32x128xf32, #tpu.memory_space<vmem>> -> memref<8x128xf32, #tpu.memory_space<vmem>>
        %dma_wait3A_362 = arith.constant 0 : i32
        %dma_wait3A_363 = arith.constant 0 : i32
        %dma_wait3A_364 = tpu.memref_slice %arg4[%sub3A_342, %dma_wait3A_358, %add3A, %dma_wait3A_362, %dma_wait3A_363] : memref<200x4x32x8x128xf32, #tpu.memory_space<hbm>> -> memref<1x1x1x8x128xf32, #tpu.memory_space<hbm>>
        %dma_wait3A_365 = tpu.memref_squeeze %dma_wait3A_364 : memref<1x1x1x8x128xf32, #tpu.memory_space<hbm>> -> memref<8x128xf32, #tpu.memory_space<hbm>>
        %dma_wait3A_366 = arith.constant 0 : i32
        %dma_wait3A_367 = arith.constant 0 : i32
        %dma_wait3A_368 = tpu.memref_slice %arg4[%sub3A_342, %dma_wait3A_358, %add3A, %dma_wait3A_366, %dma_wait3A_367] : memref<200x4x32x8x128xf32, #tpu.memory_space<hbm>> -> memref<1x1x1x8x128xf32, #tpu.memory_space<hbm>>
        %dma_wait3A_369 = tpu.memref_squeeze %dma_wait3A_368 : memref<1x1x1x8x128xf32, #tpu.memory_space<hbm>> -> memref<8x128xf32, #tpu.memory_space<hbm>>
        %dma_wait3A_370 = arith.constant 8 : i32
        %dma_wait3A_371 = arith.constant 0 : i32
        %dma_wait3A_372 = tpu.memref_slice %arg8[%dma_wait3A_370, %dma_wait3A_371] : memref<32x128xf32, #tpu.memory_space<vmem>> -> memref<8x128xf32, #tpu.memory_space<vmem>>
        tpu.wait_dma2 semaphore(%arg12 : memref<!tpu.dma_semaphore, #tpu.memory_space<semaphore_mem>>) src(%dma_wait3A_372 : memref<8x128xf32, #tpu.memory_space<vmem>>) dst(%dma_wait3A_369 : memref<8x128xf32, #tpu.memory_space<hbm>>)
        %dma_wait3A_373 = arith.constant 2 : i32
        %dma_wait3A_374 = arith.constant 16 : i32
        %dma_wait3A_375 = arith.constant 0 : i32
        %dma_wait3A_376 = tpu.memref_slice %arg8[%dma_wait3A_374, %dma_wait3A_375] : memref<32x128xf32, #tpu.memory_space<vmem>> -> memref<8x128xf32, #tpu.memory_space<vmem>>
        %dma_wait3A_377 = arith.constant 0 : i32
        %dma_wait3A_378 = arith.constant 0 : i32
        %dma_wait3A_379 = tpu.memref_slice %arg4[%sub3A_342, %dma_wait3A_373, %add3A, %dma_wait3A_377, %dma_wait3A_378] : memref<200x4x32x8x128xf32, #tpu.memory_space<hbm>> -> memref<1x1x1x8x128xf32, #tpu.memory_space<hbm>>
        %dma_wait3A_380 = tpu.memref_squeeze %dma_wait3A_379 : memref<1x1x1x8x128xf32, #tpu.memory_space<hbm>> -> memref<8x128xf32, #tpu.memory_space<hbm>>
        %dma_wait3A_381 = arith.constant 0 : i32
        %dma_wait3A_382 = arith.constant 0 : i32
        %dma_wait3A_383 = tpu.memref_slice %arg4[%sub3A_342, %dma_wait3A_373, %add3A, %dma_wait3A_381, %dma_wait3A_382] : memref<200x4x32x8x128xf32, #tpu.memory_space<hbm>> -> memref<1x1x1x8x128xf32, #tpu.memory_space<hbm>>
        %dma_wait3A_384 = tpu.memref_squeeze %dma_wait3A_383 : memref<1x1x1x8x128xf32, #tpu.memory_space<hbm>> -> memref<8x128xf32, #tpu.memory_space<hbm>>
        %dma_wait3A_385 = arith.constant 16 : i32
        %dma_wait3A_386 = arith.constant 0 : i32
        %dma_wait3A_387 = tpu.memref_slice %arg8[%dma_wait3A_385, %dma_wait3A_386] : memref<32x128xf32, #tpu.memory_space<vmem>> -> memref<8x128xf32, #tpu.memory_space<vmem>>
        tpu.wait_dma2 semaphore(%arg12 : memref<!tpu.dma_semaphore, #tpu.memory_space<semaphore_mem>>) src(%dma_wait3A_387 : memref<8x128xf32, #tpu.memory_space<vmem>>) dst(%dma_wait3A_384 : memref<8x128xf32, #tpu.memory_space<hbm>>)
        %dma_wait3A_388 = arith.constant 3 : i32
        %dma_wait3A_389 = arith.constant 24 : i32
        %dma_wait3A_390 = arith.constant 0 : i32
        %dma_wait3A_391 = tpu.memref_slice %arg8[%dma_wait3A_389, %dma_wait3A_390] : memref<32x128xf32, #tpu.memory_space<vmem>> -> memref<8x128xf32, #tpu.memory_space<vmem>>
        %dma_wait3A_392 = arith.constant 0 : i32
        %dma_wait3A_393 = arith.constant 0 : i32
        %dma_wait3A_394 = tpu.memref_slice %arg4[%sub3A_342, %dma_wait3A_388, %add3A, %dma_wait3A_392, %dma_wait3A_393] : memref<200x4x32x8x128xf32, #tpu.memory_space<hbm>> -> memref<1x1x1x8x128xf32, #tpu.memory_space<hbm>>
        %dma_wait3A_395 = tpu.memref_squeeze %dma_wait3A_394 : memref<1x1x1x8x128xf32, #tpu.memory_space<hbm>> -> memref<8x128xf32, #tpu.memory_space<hbm>>
        %dma_wait3A_396 = arith.constant 0 : i32
        %dma_wait3A_397 = arith.constant 0 : i32
        %dma_wait3A_398 = tpu.memref_slice %arg4[%sub3A_342, %dma_wait3A_388, %add3A, %dma_wait3A_396, %dma_wait3A_397] : memref<200x4x32x8x128xf32, #tpu.memory_space<hbm>> -> memref<1x1x1x8x128xf32, #tpu.memory_space<hbm>>
        %dma_wait3A_399 = tpu.memref_squeeze %dma_wait3A_398 : memref<1x1x1x8x128xf32, #tpu.memory_space<hbm>> -> memref<8x128xf32, #tpu.memory_space<hbm>>
        %dma_wait3A_400 = arith.constant 24 : i32
        %dma_wait3A_401 = arith.constant 0 : i32
        %dma_wait3A_402 = tpu.memref_slice %arg8[%dma_wait3A_400, %dma_wait3A_401] : memref<32x128xf32, #tpu.memory_space<vmem>> -> memref<8x128xf32, #tpu.memory_space<vmem>>
        tpu.wait_dma2 semaphore(%arg12 : memref<!tpu.dma_semaphore, #tpu.memory_space<semaphore_mem>>) src(%dma_wait3A_402 : memref<8x128xf32, #tpu.memory_space<vmem>>) dst(%dma_wait3A_399 : memref<8x128xf32, #tpu.memory_space<hbm>>)
      } else {
      }
      %scan3A_186 = arith.constant 0 : i32
      %scan3A_187 = arith.constant 0 : i32
      %scan3A_188 = arith.constant 8 : i32
      %scan3A_189 = arith.addi %scan3A_187, %scan3A_188 : i32
      %scan3A_190 = arith.constant 1 : i32
      scf.for %scan3A_342 = %scan3A_187 to %scan3A_189 step %scan3A_190  : i32 {
        %mul3A_343 = arith.constant 4 : i32
        %mul3A_344 = arith.muli %mul3A_343, %scan3A_342 : i32
        %broadcast_in_dim3A_345 = vector.broadcast %mul3A_344 : i32 to vector<16xi32>
        %add3A_346 = arith.addi %broadcast_in_dim3A_345, %iota3A : vector<16xi32>
        %broadcast_in_dim3A_347 = arith.constant 0 : i32
        %broadcast_in_dim3A_348 = vector.broadcast %broadcast_in_dim3A_347 : i32 to vector<16xi32>
        %add3A_349 = arith.addi %add3A_346, %broadcast_in_dim3A_348 : vector<16xi32>
        %and3A = arith.andi %add3A_349, %broadcast_in_dim3A_3 : vector<16xi32>
        %gather3A = tpu.vector_load_idx %arg6[%add3A_8, %and3A] : memref<128x32xf32, #tpu.memory_space<vmem>>[vector<16xi32>, vector<16xi32>], vector<16xf32>,
        tpu.vector_store_idx %arg8[%and3A, %add3A_8], %gather3A : memref<32x128xf32, #tpu.memory_space<vmem>>[vector<16xi32>, vector<16xi32>], vector<16xf32>,
        %gather3A_350 = tpu.vector_load_idx %arg6[%add3A_11, %and3A] : memref<128x32xf32, #tpu.memory_space<vmem>>[vector<16xi32>, vector<16xi32>], vector<16xf32>,
        tpu.vector_store_idx %arg8[%and3A, %add3A_11], %gather3A_350 : memref<32x128xf32, #tpu.memory_space<vmem>>[vector<16xi32>, vector<16xi32>], vector<16xf32>,
        %gather3A_351 = tpu.vector_load_idx %arg6[%add3A_14, %and3A] : memref<128x32xf32, #tpu.memory_space<vmem>>[vector<16xi32>, vector<16xi32>], vector<16xf32>,
        tpu.vector_store_idx %arg8[%and3A, %add3A_14], %gather3A_351 : memref<32x128xf32, #tpu.memory_space<vmem>>[vector<16xi32>, vector<16xi32>], vector<16xf32>,
        %gather3A_352 = tpu.vector_load_idx %arg6[%add3A_17, %and3A] : memref<128x32xf32, #tpu.memory_space<vmem>>[vector<16xi32>, vector<16xi32>], vector<16xf32>,
        tpu.vector_store_idx %arg8[%and3A, %add3A_17], %gather3A_352 : memref<32x128xf32, #tpu.memory_space<vmem>>[vector<16xi32>, vector<16xi32>], vector<16xf32>,
        %gather3A_353 = tpu.vector_load_idx %arg6[%add3A_20, %and3A] : memref<128x32xf32, #tpu.memory_space<vmem>>[vector<16xi32>, vector<16xi32>], vector<16xf32>,
        tpu.vector_store_idx %arg8[%and3A, %add3A_20], %gather3A_353 : memref<32x128xf32, #tpu.memory_space<vmem>>[vector<16xi32>, vector<16xi32>], vector<16xf32>,
        %gather3A_354 = tpu.vector_load_idx %arg6[%add3A_23, %and3A] : memref<128x32xf32, #tpu.memory_space<vmem>>[vector<16xi32>, vector<16xi32>], vector<16xf32>,
        tpu.vector_store_idx %arg8[%and3A, %add3A_23], %gather3A_354 : memref<32x128xf32, #tpu.memory_space<vmem>>[vector<16xi32>, vector<16xi32>], vector<16xf32>,
        %gather3A_355 = tpu.vector_load_idx %arg6[%add3A_26, %and3A] : memref<128x32xf32, #tpu.memory_space<vmem>>[vector<16xi32>, vector<16xi32>], vector<16xf32>,
        tpu.vector_store_idx %arg8[%and3A, %add3A_26], %gather3A_355 : memref<32x128xf32, #tpu.memory_space<vmem>>[vector<16xi32>, vector<16xi32>], vector<16xf32>,
        %gather3A_356 = tpu.vector_load_idx %arg6[%add3A_29, %and3A] : memref<128x32xf32, #tpu.memory_space<vmem>>[vector<16xi32>, vector<16xi32>], vector<16xf32>,
        tpu.vector_store_idx %arg8[%and3A, %add3A_29], %gather3A_356 : memref<32x128xf32, #tpu.memory_space<vmem>>[vector<16xi32>, vector<16xi32>], vector<16xf32>,
        %broadcast_in_dim3A_357 = arith.constant 1 : i32
        %broadcast_in_dim3A_358 = vector.broadcast %broadcast_in_dim3A_357 : i32 to vector<16xi32>
        %add3A_359 = arith.addi %add3A_346, %broadcast_in_dim3A_358 : vector<16xi32>
        %and3A_360 = arith.andi %add3A_359, %broadcast_in_dim3A_3 : vector<16xi32>
        %gather3A_361 = tpu.vector_load_idx %arg6[%add3A_8, %and3A_360] : memref<128x32xf32, #tpu.memory_space<vmem>>[vector<16xi32>, vector<16xi32>], vector<16xf32>,
        tpu.vector_store_idx %arg8[%and3A_360, %add3A_8], %gather3A_361 : memref<32x128xf32, #tpu.memory_space<vmem>>[vector<16xi32>, vector<16xi32>], vector<16xf32>,
        %gather3A_362 = tpu.vector_load_idx %arg6[%add3A_11, %and3A_360] : memref<128x32xf32, #tpu.memory_space<vmem>>[vector<16xi32>, vector<16xi32>], vector<16xf32>,
        tpu.vector_store_idx %arg8[%and3A_360, %add3A_11], %gather3A_362 : memref<32x128xf32, #tpu.memory_space<vmem>>[vector<16xi32>, vector<16xi32>], vector<16xf32>,
        %gather3A_363 = tpu.vector_load_idx %arg6[%add3A_14, %and3A_360] : memref<128x32xf32, #tpu.memory_space<vmem>>[vector<16xi32>, vector<16xi32>], vector<16xf32>,
        tpu.vector_store_idx %arg8[%and3A_360, %add3A_14], %gather3A_363 : memref<32x128xf32, #tpu.memory_space<vmem>>[vector<16xi32>, vector<16xi32>], vector<16xf32>,
        %gather3A_364 = tpu.vector_load_idx %arg6[%add3A_17, %and3A_360] : memref<128x32xf32, #tpu.memory_space<vmem>>[vector<16xi32>, vector<16xi32>], vector<16xf32>,
        tpu.vector_store_idx %arg8[%and3A_360, %add3A_17], %gather3A_364 : memref<32x128xf32, #tpu.memory_space<vmem>>[vector<16xi32>, vector<16xi32>], vector<16xf32>,
        %gather3A_365 = tpu.vector_load_idx %arg6[%add3A_20, %and3A_360] : memref<128x32xf32, #tpu.memory_space<vmem>>[vector<16xi32>, vector<16xi32>], vector<16xf32>,
        tpu.vector_store_idx %arg8[%and3A_360, %add3A_20], %gather3A_365 : memref<32x128xf32, #tpu.memory_space<vmem>>[vector<16xi32>, vector<16xi32>], vector<16xf32>,
        %gather3A_366 = tpu.vector_load_idx %arg6[%add3A_23, %and3A_360] : memref<128x32xf32, #tpu.memory_space<vmem>>[vector<16xi32>, vector<16xi32>], vector<16xf32>,
        tpu.vector_store_idx %arg8[%and3A_360, %add3A_23], %gather3A_366 : memref<32x128xf32, #tpu.memory_space<vmem>>[vector<16xi32>, vector<16xi32>], vector<16xf32>,
        %gather3A_367 = tpu.vector_load_idx %arg6[%add3A_26, %and3A_360] : memref<128x32xf32, #tpu.memory_space<vmem>>[vector<16xi32>, vector<16xi32>], vector<16xf32>,
        tpu.vector_store_idx %arg8[%and3A_360, %add3A_26], %gather3A_367 : memref<32x128xf32, #tpu.memory_space<vmem>>[vector<16xi32>, vector<16xi32>], vector<16xf32>,
        %gather3A_368 = tpu.vector_load_idx %arg6[%add3A_29, %and3A_360] : memref<128x32xf32, #tpu.memory_space<vmem>>[vector<16xi32>, vector<16xi32>], vector<16xf32>,
        tpu.vector_store_idx %arg8[%and3A_360, %add3A_29], %gather3A_368 : memref<32x128xf32, #tpu.memory_space<vmem>>[vector<16xi32>, vector<16xi32>], vector<16xf32>,
        %broadcast_in_dim3A_369 = arith.constant 2 : i32
        %broadcast_in_dim3A_370 = vector.broadcast %broadcast_in_dim3A_369 : i32 to vector<16xi32>
        %add3A_371 = arith.addi %add3A_346, %broadcast_in_dim3A_370 : vector<16xi32>
        %and3A_372 = arith.andi %add3A_371, %broadcast_in_dim3A_3 : vector<16xi32>
        %gather3A_373 = tpu.vector_load_idx %arg6[%add3A_8, %and3A_372] : memref<128x32xf32, #tpu.memory_space<vmem>>[vector<16xi32>, vector<16xi32>], vector<16xf32>,
        tpu.vector_store_idx %arg8[%and3A_372, %add3A_8], %gather3A_373 : memref<32x128xf32, #tpu.memory_space<vmem>>[vector<16xi32>, vector<16xi32>], vector<16xf32>,
        %gather3A_374 = tpu.vector_load_idx %arg6[%add3A_11, %and3A_372] : memref<128x32xf32, #tpu.memory_space<vmem>>[vector<16xi32>, vector<16xi32>], vector<16xf32>,
        tpu.vector_store_idx %arg8[%and3A_372, %add3A_11], %gather3A_374 : memref<32x128xf32, #tpu.memory_space<vmem>>[vector<16xi32>, vector<16xi32>], vector<16xf32>,
        %gather3A_375 = tpu.vector_load_idx %arg6[%add3A_14, %and3A_372] : memref<128x32xf32, #tpu.memory_space<vmem>>[vector<16xi32>, vector<16xi32>], vector<16xf32>,
        tpu.vector_store_idx %arg8[%and3A_372, %add3A_14], %gather3A_375 : memref<32x128xf32, #tpu.memory_space<vmem>>[vector<16xi32>, vector<16xi32>], vector<16xf32>,
        %gather3A_376 = tpu.vector_load_idx %arg6[%add3A_17, %and3A_372] : memref<128x32xf32, #tpu.memory_space<vmem>>[vector<16xi32>, vector<16xi32>], vector<16xf32>,
        tpu.vector_store_idx %arg8[%and3A_372, %add3A_17], %gather3A_376 : memref<32x128xf32, #tpu.memory_space<vmem>>[vector<16xi32>, vector<16xi32>], vector<16xf32>,
        %gather3A_377 = tpu.vector_load_idx %arg6[%add3A_20, %and3A_372] : memref<128x32xf32, #tpu.memory_space<vmem>>[vector<16xi32>, vector<16xi32>], vector<16xf32>,
        tpu.vector_store_idx %arg8[%and3A_372, %add3A_20], %gather3A_377 : memref<32x128xf32, #tpu.memory_space<vmem>>[vector<16xi32>, vector<16xi32>], vector<16xf32>,
        %gather3A_378 = tpu.vector_load_idx %arg6[%add3A_23, %and3A_372] : memref<128x32xf32, #tpu.memory_space<vmem>>[vector<16xi32>, vector<16xi32>], vector<16xf32>,
        tpu.vector_store_idx %arg8[%and3A_372, %add3A_23], %gather3A_378 : memref<32x128xf32, #tpu.memory_space<vmem>>[vector<16xi32>, vector<16xi32>], vector<16xf32>,
        %gather3A_379 = tpu.vector_load_idx %arg6[%add3A_26, %and3A_372] : memref<128x32xf32, #tpu.memory_space<vmem>>[vector<16xi32>, vector<16xi32>], vector<16xf32>,
        tpu.vector_store_idx %arg8[%and3A_372, %add3A_26], %gather3A_379 : memref<32x128xf32, #tpu.memory_space<vmem>>[vector<16xi32>, vector<16xi32>], vector<16xf32>,
        %gather3A_380 = tpu.vector_load_idx %arg6[%add3A_29, %and3A_372] : memref<128x32xf32, #tpu.memory_space<vmem>>[vector<16xi32>, vector<16xi32>], vector<16xf32>,
        tpu.vector_store_idx %arg8[%and3A_372, %add3A_29], %gather3A_380 : memref<32x128xf32, #tpu.memory_space<vmem>>[vector<16xi32>, vector<16xi32>], vector<16xf32>,
        %broadcast_in_dim3A_381 = arith.constant 3 : i32
        %broadcast_in_dim3A_382 = vector.broadcast %broadcast_in_dim3A_381 : i32 to vector<16xi32>
        %add3A_383 = arith.addi %add3A_346, %broadcast_in_dim3A_382 : vector<16xi32>
        %and3A_384 = arith.andi %add3A_383, %broadcast_in_dim3A_3 : vector<16xi32>
        %gather3A_385 = tpu.vector_load_idx %arg6[%add3A_8, %and3A_384] : memref<128x32xf32, #tpu.memory_space<vmem>>[vector<16xi32>, vector<16xi32>], vector<16xf32>,
        tpu.vector_store_idx %arg8[%and3A_384, %add3A_8], %gather3A_385 : memref<32x128xf32, #tpu.memory_space<vmem>>[vector<16xi32>, vector<16xi32>], vector<16xf32>,
        %gather3A_386 = tpu.vector_load_idx %arg6[%add3A_11, %and3A_384] : memref<128x32xf32, #tpu.memory_space<vmem>>[vector<16xi32>, vector<16xi32>], vector<16xf32>,
        tpu.vector_store_idx %arg8[%and3A_384, %add3A_11], %gather3A_386 : memref<32x128xf32, #tpu.memory_space<vmem>>[vector<16xi32>, vector<16xi32>], vector<16xf32>,
        %gather3A_387 = tpu.vector_load_idx %arg6[%add3A_14, %and3A_384] : memref<128x32xf32, #tpu.memory_space<vmem>>[vector<16xi32>, vector<16xi32>], vector<16xf32>,
        tpu.vector_store_idx %arg8[%and3A_384, %add3A_14], %gather3A_387 : memref<32x128xf32, #tpu.memory_space<vmem>>[vector<16xi32>, vector<16xi32>], vector<16xf32>,
        %gather3A_388 = tpu.vector_load_idx %arg6[%add3A_17, %and3A_384] : memref<128x32xf32, #tpu.memory_space<vmem>>[vector<16xi32>, vector<16xi32>], vector<16xf32>,
        tpu.vector_store_idx %arg8[%and3A_384, %add3A_17], %gather3A_388 : memref<32x128xf32, #tpu.memory_space<vmem>>[vector<16xi32>, vector<16xi32>], vector<16xf32>,
        %gather3A_389 = tpu.vector_load_idx %arg6[%add3A_20, %and3A_384] : memref<128x32xf32, #tpu.memory_space<vmem>>[vector<16xi32>, vector<16xi32>], vector<16xf32>,
        tpu.vector_store_idx %arg8[%and3A_384, %add3A_20], %gather3A_389 : memref<32x128xf32, #tpu.memory_space<vmem>>[vector<16xi32>, vector<16xi32>], vector<16xf32>,
        %gather3A_390 = tpu.vector_load_idx %arg6[%add3A_23, %and3A_384] : memref<128x32xf32, #tpu.memory_space<vmem>>[vector<16xi32>, vector<16xi32>], vector<16xf32>,
        tpu.vector_store_idx %arg8[%and3A_384, %add3A_23], %gather3A_390 : memref<32x128xf32, #tpu.memory_space<vmem>>[vector<16xi32>, vector<16xi32>], vector<16xf32>,
        %gather3A_391 = tpu.vector_load_idx %arg6[%add3A_26, %and3A_384] : memref<128x32xf32, #tpu.memory_space<vmem>>[vector<16xi32>, vector<16xi32>], vector<16xf32>,
        tpu.vector_store_idx %arg8[%and3A_384, %add3A_26], %gather3A_391 : memref<32x128xf32, #tpu.memory_space<vmem>>[vector<16xi32>, vector<16xi32>], vector<16xf32>,
        %gather3A_392 = tpu.vector_load_idx %arg6[%add3A_29, %and3A_384] : memref<128x32xf32, #tpu.memory_space<vmem>>[vector<16xi32>, vector<16xi32>], vector<16xf32>,
        tpu.vector_store_idx %arg8[%and3A_384, %add3A_29], %gather3A_392 : memref<32x128xf32, #tpu.memory_space<vmem>>[vector<16xi32>, vector<16xi32>], vector<16xf32>,
      }
      %scan3A_191 = arith.constant 8 : i32
      %dma_start3A_192 = arith.constant 0 : i32
      %dma_start3A_193 = arith.constant 0 : i32
      %dma_start3A_194 = arith.constant 0 : i32
      %dma_start3A_195 = tpu.memref_slice %arg8[%dma_start3A_193, %dma_start3A_194] : memref<32x128xf32, #tpu.memory_space<vmem>> -> memref<8x128xf32, #tpu.memory_space<vmem>>
      %dma_start3A_196 = arith.constant 0 : i32
      %dma_start3A_197 = arith.constant 0 : i32
      %dma_start3A_198 = tpu.memref_slice %arg4[%mul3A_177, %dma_start3A_192, %add3A, %dma_start3A_196, %dma_start3A_197] : memref<200x4x32x8x128xf32, #tpu.memory_space<hbm>> -> memref<1x1x1x8x128xf32, #tpu.memory_space<hbm>>
      %dma_start3A_199 = tpu.memref_squeeze %dma_start3A_198 : memref<1x1x1x8x128xf32, #tpu.memory_space<hbm>> -> memref<8x128xf32, #tpu.memory_space<hbm>>
      %dma_start3A_200 = arith.constant 0 : i32
      %dma_start3A_201 = arith.constant 0 : i32
      %dma_start3A_202 = tpu.memref_slice %arg4[%mul3A_177, %dma_start3A_192, %add3A, %dma_start3A_200, %dma_start3A_201] : memref<200x4x32x8x128xf32, #tpu.memory_space<hbm>> -> memref<1x1x1x8x128xf32, #tpu.memory_space<hbm>>
      %dma_start3A_203 = tpu.memref_squeeze %dma_start3A_202 : memref<1x1x1x8x128xf32, #tpu.memory_space<hbm>> -> memref<8x128xf32, #tpu.memory_space<hbm>>
      %dma_start3A_204 = arith.constant 0 : i32
      %dma_start3A_205 = arith.constant 0 : i32
      %dma_start3A_206 = tpu.memref_slice %arg8[%dma_start3A_204, %dma_start3A_205] : memref<32x128xf32, #tpu.memory_space<vmem>> -> memref<8x128xf32, #tpu.memory_space<vmem>>
      tpu.enqueue_dma source(%dma_start3A_206 : memref<8x128xf32, #tpu.memory_space<vmem>>) target(%dma_start3A_203 : memref<8x128xf32, #tpu.memory_space<hbm>>) target_semaphore(%arg12 : memref<!tpu.dma_semaphore, #tpu.memory_space<semaphore_mem>>)
      %dma_start3A_207 = arith.constant 1 : i32
      %dma_start3A_208 = arith.constant 8 : i32
      %dma_start3A_209 = arith.constant 0 : i32
      %dma_start3A_210 = tpu.memref_slice %arg8[%dma_start3A_208, %dma_start3A_209] : memref<32x128xf32, #tpu.memory_space<vmem>> -> memref<8x128xf32, #tpu.memory_space<vmem>>
      %dma_start3A_211 = arith.constant 0 : i32
      %dma_start3A_212 = arith.constant 0 : i32
      %dma_start3A_213 = tpu.memref_slice %arg4[%mul3A_177, %dma_start3A_207, %add3A, %dma_start3A_211, %dma_start3A_212] : memref<200x4x32x8x128xf32, #tpu.memory_space<hbm>> -> memref<1x1x1x8x128xf32, #tpu.memory_space<hbm>>
      %dma_start3A_214 = tpu.memref_squeeze %dma_start3A_213 : memref<1x1x1x8x128xf32, #tpu.memory_space<hbm>> -> memref<8x128xf32, #tpu.memory_space<hbm>>
      %dma_start3A_215 = arith.constant 0 : i32
      %dma_start3A_216 = arith.constant 0 : i32
      %dma_start3A_217 = tpu.memref_slice %arg4[%mul3A_177, %dma_start3A_207, %add3A, %dma_start3A_215, %dma_start3A_216] : memref<200x4x32x8x128xf32, #tpu.memory_space<hbm>> -> memref<1x1x1x8x128xf32, #tpu.memory_space<hbm>>
      %dma_start3A_218 = tpu.memref_squeeze %dma_start3A_217 : memref<1x1x1x8x128xf32, #tpu.memory_space<hbm>> -> memref<8x128xf32, #tpu.memory_space<hbm>>
      %dma_start3A_219 = arith.constant 8 : i32
      %dma_start3A_220 = arith.constant 0 : i32
      %dma_start3A_221 = tpu.memref_slice %arg8[%dma_start3A_219, %dma_start3A_220] : memref<32x128xf32, #tpu.memory_space<vmem>> -> memref<8x128xf32, #tpu.memory_space<vmem>>
      tpu.enqueue_dma source(%dma_start3A_221 : memref<8x128xf32, #tpu.memory_space<vmem>>) target(%dma_start3A_218 : memref<8x128xf32, #tpu.memory_space<hbm>>) target_semaphore(%arg12 : memref<!tpu.dma_semaphore, #tpu.memory_space<semaphore_mem>>)
      %dma_start3A_222 = arith.constant 2 : i32
      %dma_start3A_223 = arith.constant 16 : i32
      %dma_start3A_224 = arith.constant 0 : i32
      %dma_start3A_225 = tpu.memref_slice %arg8[%dma_start3A_223, %dma_start3A_224] : memref<32x128xf32, #tpu.memory_space<vmem>> -> memref<8x128xf32, #tpu.memory_space<vmem>>
      %dma_start3A_226 = arith.constant 0 : i32
      %dma_start3A_227 = arith.constant 0 : i32
      %dma_start3A_228 = tpu.memref_slice %arg4[%mul3A_177, %dma_start3A_222, %add3A, %dma_start3A_226, %dma_start3A_227] : memref<200x4x32x8x128xf32, #tpu.memory_space<hbm>> -> memref<1x1x1x8x128xf32, #tpu.memory_space<hbm>>
      %dma_start3A_229 = tpu.memref_squeeze %dma_start3A_228 : memref<1x1x1x8x128xf32, #tpu.memory_space<hbm>> -> memref<8x128xf32, #tpu.memory_space<hbm>>
      %dma_start3A_230 = arith.constant 0 : i32
      %dma_start3A_231 = arith.constant 0 : i32
      %dma_start3A_232 = tpu.memref_slice %arg4[%mul3A_177, %dma_start3A_222, %add3A, %dma_start3A_230, %dma_start3A_231] : memref<200x4x32x8x128xf32, #tpu.memory_space<hbm>> -> memref<1x1x1x8x128xf32, #tpu.memory_space<hbm>>
      %dma_start3A_233 = tpu.memref_squeeze %dma_start3A_232 : memref<1x1x1x8x128xf32, #tpu.memory_space<hbm>> -> memref<8x128xf32, #tpu.memory_space<hbm>>
      %dma_start3A_234 = arith.constant 16 : i32
      %dma_start3A_235 = arith.constant 0 : i32
      %dma_start3A_236 = tpu.memref_slice %arg8[%dma_start3A_234, %dma_start3A_235] : memref<32x128xf32, #tpu.memory_space<vmem>> -> memref<8x128xf32, #tpu.memory_space<vmem>>
      tpu.enqueue_dma source(%dma_start3A_236 : memref<8x128xf32, #tpu.memory_space<vmem>>) target(%dma_start3A_233 : memref<8x128xf32, #tpu.memory_space<hbm>>) target_semaphore(%arg12 : memref<!tpu.dma_semaphore, #tpu.memory_space<semaphore_mem>>)
      %dma_start3A_237 = arith.constant 3 : i32
      %dma_start3A_238 = arith.constant 24 : i32
      %dma_start3A_239 = arith.constant 0 : i32
      %dma_start3A_240 = tpu.memref_slice %arg8[%dma_start3A_238, %dma_start3A_239] : memref<32x128xf32, #tpu.memory_space<vmem>> -> memref<8x128xf32, #tpu.memory_space<vmem>>
      %dma_start3A_241 = arith.constant 0 : i32
      %dma_start3A_242 = arith.constant 0 : i32
      %dma_start3A_243 = tpu.memref_slice %arg4[%mul3A_177, %dma_start3A_237, %add3A, %dma_start3A_241, %dma_start3A_242] : memref<200x4x32x8x128xf32, #tpu.memory_space<hbm>> -> memref<1x1x1x8x128xf32, #tpu.memory_space<hbm>>
      %dma_start3A_244 = tpu.memref_squeeze %dma_start3A_243 : memref<1x1x1x8x128xf32, #tpu.memory_space<hbm>> -> memref<8x128xf32, #tpu.memory_space<hbm>>
      %dma_start3A_245 = arith.constant 0 : i32
      %dma_start3A_246 = arith.constant 0 : i32
      %dma_start3A_247 = tpu.memref_slice %arg4[%mul3A_177, %dma_start3A_237, %add3A, %dma_start3A_245, %dma_start3A_246] : memref<200x4x32x8x128xf32, #tpu.memory_space<hbm>> -> memref<1x1x1x8x128xf32, #tpu.memory_space<hbm>>
      %dma_start3A_248 = tpu.memref_squeeze %dma_start3A_247 : memref<1x1x1x8x128xf32, #tpu.memory_space<hbm>> -> memref<8x128xf32, #tpu.memory_space<hbm>>
      %dma_start3A_249 = arith.constant 24 : i32
      %dma_start3A_250 = arith.constant 0 : i32
      %dma_start3A_251 = tpu.memref_slice %arg8[%dma_start3A_249, %dma_start3A_250] : memref<32x128xf32, #tpu.memory_space<vmem>> -> memref<8x128xf32, #tpu.memory_space<vmem>>
      tpu.enqueue_dma source(%dma_start3A_251 : memref<8x128xf32, #tpu.memory_space<vmem>>) target(%dma_start3A_248 : memref<8x128xf32, #tpu.memory_space<hbm>>) target_semaphore(%arg12 : memref<!tpu.dma_semaphore, #tpu.memory_space<semaphore_mem>>)
      %lt3A = arith.constant 99 : i32
      %lt3A_252 = arith.cmpi slt, %scan3A_175, %lt3A : i32
      %convert_element_type3A_253 = arith.extui %lt3A_252 : i1 to i32
      %cond3A_254 = arith.constant 0 : i32
      %cond3A_255 = arith.cmpi ne, %convert_element_type3A_253, %cond3A_254 : i32
      scf.if %cond3A_255 {
        %add3A_342 = arith.constant 2 : i32
        %add3A_343 = arith.addi %mul3A_177, %add3A_342 : i32
        %dma_start3A_344 = arith.constant 0 : i32
        %dma_start3A_345 = tpu.memref_slice %arg5[%add3A_343, %dma_start3A_344] : memref<200x128xi32, #tpu.memory_space<vmem>> -> memref<1x128xi32, #tpu.memory_space<vmem>>
        %dma_start3A_346 = tpu.memref_squeeze %dma_start3A_345 : memref<1x128xi32, #tpu.memory_space<vmem>> -> memref<128xi32, #tpu.memory_space<vmem>>
        %dma_start3A_347 = arith.constant 0 : i32
        %dma_start3A_348 = arith.constant 0 : i32
        %dma_start3A_349 = tpu.memref_slice %arg2[%dma_start3A_347, %dma_start3A_348] : memref<1000000x32xf32, #tpu.memory_space<hbm>> -> memref<1000000x32xf32, #tpu.memory_space<hbm>>
        tpu.enqueue_indirect_dma source(%dma_start3A_349 : memref<1000000x32xf32, #tpu.memory_space<hbm>>) target(%arg6 : memref<128x32xf32, #tpu.memory_space<vmem>>) offsets(%dma_start3A_346 : memref<128xi32, #tpu.memory_space<vmem>>) semaphore(%arg10 : memref<!tpu.dma_semaphore, #tpu.memory_space<semaphore_mem>>)
      } else {
      }
      %add3A_256 = arith.constant 1 : i32
      %add3A_257 = arith.addi %mul3A_177, %add3A_256 : i32
      %dma_wait3A_258 = arith.constant 0 : i32
      %dma_wait3A_259 = tpu.memref_slice %arg5[%add3A_257, %dma_wait3A_258] : memref<200x128xi32, #tpu.memory_space<vmem>> -> memref<1x128xi32, #tpu.memory_space<vmem>>
      %dma_wait3A_260 = tpu.memref_squeeze %dma_wait3A_259 : memref<1x128xi32, #tpu.memory_space<vmem>> -> memref<128xi32, #tpu.memory_space<vmem>>
      %dma_wait3A_261 = arith.constant 0 : i32
      %dma_wait3A_262 = arith.constant 0 : i32
      %dma_wait3A_263 = tpu.memref_slice %arg2[%dma_wait3A_261, %dma_wait3A_262] : memref<1000000x32xf32, #tpu.memory_space<hbm>> -> memref<1000000x32xf32, #tpu.memory_space<hbm>>
      tpu.wait_indirect_dma semaphore(%arg11 : memref<!tpu.dma_semaphore, #tpu.memory_space<semaphore_mem>>) src(%dma_wait3A_263 : memref<1000000x32xf32, #tpu.memory_space<hbm>>) dst(%arg7 : memref<128x32xf32, #tpu.memory_space<vmem>>)
      %gt3A_264 = arith.constant 0 : i32
      %gt3A_265 = arith.cmpi sgt, %scan3A_175, %gt3A_264 : i32
      %convert_element_type3A_266 = arith.extui %gt3A_265 : i1 to i32
      %cond3A_267 = arith.constant 0 : i32
      %cond3A_268 = arith.cmpi ne, %convert_element_type3A_266, %cond3A_267 : i32
      scf.if %cond3A_268 {
        %sub3A = arith.constant 1 : i32
        %sub3A_342 = arith.subi %mul3A_177, %sub3A : i32
        %dma_wait3A_343 = arith.constant 0 : i32
        %dma_wait3A_344 = arith.constant 0 : i32
        %dma_wait3A_345 = arith.constant 0 : i32
        %dma_wait3A_346 = tpu.memref_slice %arg9[%dma_wait3A_344, %dma_wait3A_345] : memref<32x128xf32, #tpu.memory_space<vmem>> -> memref<8x128xf32, #tpu.memory_space<vmem>>
        %dma_wait3A_347 = arith.constant 0 : i32
        %dma_wait3A_348 = arith.constant 0 : i32
        %dma_wait3A_349 = tpu.memref_slice %arg4[%sub3A_342, %dma_wait3A_343, %add3A, %dma_wait3A_347, %dma_wait3A_348] : memref<200x4x32x8x128xf32, #tpu.memory_space<hbm>> -> memref<1x1x1x8x128xf32, #tpu.memory_space<hbm>>
        %dma_wait3A_350 = tpu.memref_squeeze %dma_wait3A_349 : memref<1x1x1x8x128xf32, #tpu.memory_space<hbm>> -> memref<8x128xf32, #tpu.memory_space<hbm>>
        %dma_wait3A_351 = arith.constant 0 : i32
        %dma_wait3A_352 = arith.constant 0 : i32
        %dma_wait3A_353 = tpu.memref_slice %arg4[%sub3A_342, %dma_wait3A_343, %add3A, %dma_wait3A_351, %dma_wait3A_352] : memref<200x4x32x8x128xf32, #tpu.memory_space<hbm>> -> memref<1x1x1x8x128xf32, #tpu.memory_space<hbm>>
        %dma_wait3A_354 = tpu.memref_squeeze %dma_wait3A_353 : memref<1x1x1x8x128xf32, #tpu.memory_space<hbm>> -> memref<8x128xf32, #tpu.memory_space<hbm>>
        %dma_wait3A_355 = arith.constant 0 : i32
        %dma_wait3A_356 = arith.constant 0 : i32
        %dma_wait3A_357 = tpu.memref_slice %arg9[%dma_wait3A_355, %dma_wait3A_356] : memref<32x128xf32, #tpu.memory_space<vmem>> -> memref<8x128xf32, #tpu.memory_space<vmem>>
        tpu.wait_dma2 semaphore(%arg13 : memref<!tpu.dma_semaphore, #tpu.memory_space<semaphore_mem>>) src(%dma_wait3A_357 : memref<8x128xf32, #tpu.memory_space<vmem>>) dst(%dma_wait3A_354 : memref<8x128xf32, #tpu.memory_space<hbm>>)
        %dma_wait3A_358 = arith.constant 1 : i32
        %dma_wait3A_359 = arith.constant 8 : i32
        %dma_wait3A_360 = arith.constant 0 : i32
        %dma_wait3A_361 = tpu.memref_slice %arg9[%dma_wait3A_359, %dma_wait3A_360] : memref<32x128xf32, #tpu.memory_space<vmem>> -> memref<8x128xf32, #tpu.memory_space<vmem>>
        %dma_wait3A_362 = arith.constant 0 : i32
        %dma_wait3A_363 = arith.constant 0 : i32
        %dma_wait3A_364 = tpu.memref_slice %arg4[%sub3A_342, %dma_wait3A_358, %add3A, %dma_wait3A_362, %dma_wait3A_363] : memref<200x4x32x8x128xf32, #tpu.memory_space<hbm>> -> memref<1x1x1x8x128xf32, #tpu.memory_space<hbm>>
        %dma_wait3A_365 = tpu.memref_squeeze %dma_wait3A_364 : memref<1x1x1x8x128xf32, #tpu.memory_space<hbm>> -> memref<8x128xf32, #tpu.memory_space<hbm>>
        %dma_wait3A_366 = arith.constant 0 : i32
        %dma_wait3A_367 = arith.constant 0 : i32
        %dma_wait3A_368 = tpu.memref_slice %arg4[%sub3A_342, %dma_wait3A_358, %add3A, %dma_wait3A_366, %dma_wait3A_367] : memref<200x4x32x8x128xf32, #tpu.memory_space<hbm>> -> memref<1x1x1x8x128xf32, #tpu.memory_space<hbm>>
        %dma_wait3A_369 = tpu.memref_squeeze %dma_wait3A_368 : memref<1x1x1x8x128xf32, #tpu.memory_space<hbm>> -> memref<8x128xf32, #tpu.memory_space<hbm>>
        %dma_wait3A_370 = arith.constant 8 : i32
        %dma_wait3A_371 = arith.constant 0 : i32
        %dma_wait3A_372 = tpu.memref_slice %arg9[%dma_wait3A_370, %dma_wait3A_371] : memref<32x128xf32, #tpu.memory_space<vmem>> -> memref<8x128xf32, #tpu.memory_space<vmem>>
        tpu.wait_dma2 semaphore(%arg13 : memref<!tpu.dma_semaphore, #tpu.memory_space<semaphore_mem>>) src(%dma_wait3A_372 : memref<8x128xf32, #tpu.memory_space<vmem>>) dst(%dma_wait3A_369 : memref<8x128xf32, #tpu.memory_space<hbm>>)
        %dma_wait3A_373 = arith.constant 2 : i32
        %dma_wait3A_374 = arith.constant 16 : i32
        %dma_wait3A_375 = arith.constant 0 : i32
        %dma_wait3A_376 = tpu.memref_slice %arg9[%dma_wait3A_374, %dma_wait3A_375] : memref<32x128xf32, #tpu.memory_space<vmem>> -> memref<8x128xf32, #tpu.memory_space<vmem>>
        %dma_wait3A_377 = arith.constant 0 : i32
        %dma_wait3A_378 = arith.constant 0 : i32
        %dma_wait3A_379 = tpu.memref_slice %arg4[%sub3A_342, %dma_wait3A_373, %add3A, %dma_wait3A_377, %dma_wait3A_378] : memref<200x4x32x8x128xf32, #tpu.memory_space<hbm>> -> memref<1x1x1x8x128xf32, #tpu.memory_space<hbm>>
        %dma_wait3A_380 = tpu.memref_squeeze %dma_wait3A_379 : memref<1x1x1x8x128xf32, #tpu.memory_space<hbm>> -> memref<8x128xf32, #tpu.memory_space<hbm>>
        %dma_wait3A_381 = arith.constant 0 : i32
        %dma_wait3A_382 = arith.constant 0 : i32
        %dma_wait3A_383 = tpu.memref_slice %arg4[%sub3A_342, %dma_wait3A_373, %add3A, %dma_wait3A_381, %dma_wait3A_382] : memref<200x4x32x8x128xf32, #tpu.memory_space<hbm>> -> memref<1x1x1x8x128xf32, #tpu.memory_space<hbm>>
        %dma_wait3A_384 = tpu.memref_squeeze %dma_wait3A_383 : memref<1x1x1x8x128xf32, #tpu.memory_space<hbm>> -> memref<8x128xf32, #tpu.memory_space<hbm>>
        %dma_wait3A_385 = arith.constant 16 : i32
        %dma_wait3A_386 = arith.constant 0 : i32
        %dma_wait3A_387 = tpu.memref_slice %arg9[%dma_wait3A_385, %dma_wait3A_386] : memref<32x128xf32, #tpu.memory_space<vmem>> -> memref<8x128xf32, #tpu.memory_space<vmem>>
        tpu.wait_dma2 semaphore(%arg13 : memref<!tpu.dma_semaphore, #tpu.memory_space<semaphore_mem>>) src(%dma_wait3A_387 : memref<8x128xf32, #tpu.memory_space<vmem>>) dst(%dma_wait3A_384 : memref<8x128xf32, #tpu.memory_space<hbm>>)
        %dma_wait3A_388 = arith.constant 3 : i32
        %dma_wait3A_389 = arith.constant 24 : i32
        %dma_wait3A_390 = arith.constant 0 : i32
        %dma_wait3A_391 = tpu.memref_slice %arg9[%dma_wait3A_389, %dma_wait3A_390] : memref<32x128xf32, #tpu.memory_space<vmem>> -> memref<8x128xf32, #tpu.memory_space<vmem>>
        %dma_wait3A_392 = arith.constant 0 : i32
        %dma_wait3A_393 = arith.constant 0 : i32
        %dma_wait3A_394 = tpu.memref_slice %arg4[%sub3A_342, %dma_wait3A_388, %add3A, %dma_wait3A_392, %dma_wait3A_393] : memref<200x4x32x8x128xf32, #tpu.memory_space<hbm>> -> memref<1x1x1x8x128xf32, #tpu.memory_space<hbm>>
        %dma_wait3A_395 = tpu.memref_squeeze %dma_wait3A_394 : memref<1x1x1x8x128xf32, #tpu.memory_space<hbm>> -> memref<8x128xf32, #tpu.memory_space<hbm>>
        %dma_wait3A_396 = arith.constant 0 : i32
        %dma_wait3A_397 = arith.constant 0 : i32
        %dma_wait3A_398 = tpu.memref_slice %arg4[%sub3A_342, %dma_wait3A_388, %add3A, %dma_wait3A_396, %dma_wait3A_397] : memref<200x4x32x8x128xf32, #tpu.memory_space<hbm>> -> memref<1x1x1x8x128xf32, #tpu.memory_space<hbm>>
        %dma_wait3A_399 = tpu.memref_squeeze %dma_wait3A_398 : memref<1x1x1x8x128xf32, #tpu.memory_space<hbm>> -> memref<8x128xf32, #tpu.memory_space<hbm>>
        %dma_wait3A_400 = arith.constant 24 : i32
        %dma_wait3A_401 = arith.constant 0 : i32
        %dma_wait3A_402 = tpu.memref_slice %arg9[%dma_wait3A_400, %dma_wait3A_401] : memref<32x128xf32, #tpu.memory_space<vmem>> -> memref<8x128xf32, #tpu.memory_space<vmem>>
        tpu.wait_dma2 semaphore(%arg13 : memref<!tpu.dma_semaphore, #tpu.memory_space<semaphore_mem>>) src(%dma_wait3A_402 : memref<8x128xf32, #tpu.memory_space<vmem>>) dst(%dma_wait3A_399 : memref<8x128xf32, #tpu.memory_space<hbm>>)
      } else {
      }
      %scan3A_269 = arith.constant 0 : i32
      %scan3A_270 = arith.constant 0 : i32
      %scan3A_271 = arith.constant 8 : i32
      %scan3A_272 = arith.addi %scan3A_270, %scan3A_271 : i32
      %scan3A_273 = arith.constant 1 : i32
      scf.for %scan3A_342 = %scan3A_270 to %scan3A_272 step %scan3A_273  : i32 {
        %mul3A_343 = arith.constant 4 : i32
        %mul3A_344 = arith.muli %mul3A_343, %scan3A_342 : i32
        %broadcast_in_dim3A_345 = vector.broadcast %mul3A_344 : i32 to vector<16xi32>
        %add3A_346 = arith.addi %broadcast_in_dim3A_345, %iota3A : vector<16xi32>
        %broadcast_in_dim3A_347 = arith.constant 0 : i32
        %broadcast_in_dim3A_348 = vector.broadcast %broadcast_in_dim3A_347 : i32 to vector<16xi32>
        %add3A_349 = arith.addi %add3A_346, %broadcast_in_dim3A_348 : vector<16xi32>
        %and3A = arith.andi %add3A_349, %broadcast_in_dim3A_3 : vector<16xi32>
        %gather3A = tpu.vector_load_idx %arg7[%add3A_8, %and3A] : memref<128x32xf32, #tpu.memory_space<vmem>>[vector<16xi32>, vector<16xi32>], vector<16xf32>,
        tpu.vector_store_idx %arg9[%and3A, %add3A_8], %gather3A : memref<32x128xf32, #tpu.memory_space<vmem>>[vector<16xi32>, vector<16xi32>], vector<16xf32>,
        %gather3A_350 = tpu.vector_load_idx %arg7[%add3A_11, %and3A] : memref<128x32xf32, #tpu.memory_space<vmem>>[vector<16xi32>, vector<16xi32>], vector<16xf32>,
        tpu.vector_store_idx %arg9[%and3A, %add3A_11], %gather3A_350 : memref<32x128xf32, #tpu.memory_space<vmem>>[vector<16xi32>, vector<16xi32>], vector<16xf32>,
        %gather3A_351 = tpu.vector_load_idx %arg7[%add3A_14, %and3A] : memref<128x32xf32, #tpu.memory_space<vmem>>[vector<16xi32>, vector<16xi32>], vector<16xf32>,
        tpu.vector_store_idx %arg9[%and3A, %add3A_14], %gather3A_351 : memref<32x128xf32, #tpu.memory_space<vmem>>[vector<16xi32>, vector<16xi32>], vector<16xf32>,
        %gather3A_352 = tpu.vector_load_idx %arg7[%add3A_17, %and3A] : memref<128x32xf32, #tpu.memory_space<vmem>>[vector<16xi32>, vector<16xi32>], vector<16xf32>,
        tpu.vector_store_idx %arg9[%and3A, %add3A_17], %gather3A_352 : memref<32x128xf32, #tpu.memory_space<vmem>>[vector<16xi32>, vector<16xi32>], vector<16xf32>,
        %gather3A_353 = tpu.vector_load_idx %arg7[%add3A_20, %and3A] : memref<128x32xf32, #tpu.memory_space<vmem>>[vector<16xi32>, vector<16xi32>], vector<16xf32>,
        tpu.vector_store_idx %arg9[%and3A, %add3A_20], %gather3A_353 : memref<32x128xf32, #tpu.memory_space<vmem>>[vector<16xi32>, vector<16xi32>], vector<16xf32>,
        %gather3A_354 = tpu.vector_load_idx %arg7[%add3A_23, %and3A] : memref<128x32xf32, #tpu.memory_space<vmem>>[vector<16xi32>, vector<16xi32>], vector<16xf32>,
        tpu.vector_store_idx %arg9[%and3A, %add3A_23], %gather3A_354 : memref<32x128xf32, #tpu.memory_space<vmem>>[vector<16xi32>, vector<16xi32>], vector<16xf32>,
        %gather3A_355 = tpu.vector_load_idx %arg7[%add3A_26, %and3A] : memref<128x32xf32, #tpu.memory_space<vmem>>[vector<16xi32>, vector<16xi32>], vector<16xf32>,
        tpu.vector_store_idx %arg9[%and3A, %add3A_26], %gather3A_355 : memref<32x128xf32, #tpu.memory_space<vmem>>[vector<16xi32>, vector<16xi32>], vector<16xf32>,
        %gather3A_356 = tpu.vector_load_idx %arg7[%add3A_29, %and3A] : memref<128x32xf32, #tpu.memory_space<vmem>>[vector<16xi32>, vector<16xi32>], vector<16xf32>,
        tpu.vector_store_idx %arg9[%and3A, %add3A_29], %gather3A_356 : memref<32x128xf32, #tpu.memory_space<vmem>>[vector<16xi32>, vector<16xi32>], vector<16xf32>,
        %broadcast_in_dim3A_357 = arith.constant 1 : i32
        %broadcast_in_dim3A_358 = vector.broadcast %broadcast_in_dim3A_357 : i32 to vector<16xi32>
        %add3A_359 = arith.addi %add3A_346, %broadcast_in_dim3A_358 : vector<16xi32>
        %and3A_360 = arith.andi %add3A_359, %broadcast_in_dim3A_3 : vector<16xi32>
        %gather3A_361 = tpu.vector_load_idx %arg7[%add3A_8, %and3A_360] : memref<128x32xf32, #tpu.memory_space<vmem>>[vector<16xi32>, vector<16xi32>], vector<16xf32>,
        tpu.vector_store_idx %arg9[%and3A_360, %add3A_8], %gather3A_361 : memref<32x128xf32, #tpu.memory_space<vmem>>[vector<16xi32>, vector<16xi32>], vector<16xf32>,
        %gather3A_362 = tpu.vector_load_idx %arg7[%add3A_11, %and3A_360] : memref<128x32xf32, #tpu.memory_space<vmem>>[vector<16xi32>, vector<16xi32>], vector<16xf32>,
        tpu.vector_store_idx %arg9[%and3A_360, %add3A_11], %gather3A_362 : memref<32x128xf32, #tpu.memory_space<vmem>>[vector<16xi32>, vector<16xi32>], vector<16xf32>,
        %gather3A_363 = tpu.vector_load_idx %arg7[%add3A_14, %and3A_360] : memref<128x32xf32, #tpu.memory_space<vmem>>[vector<16xi32>, vector<16xi32>], vector<16xf32>,
        tpu.vector_store_idx %arg9[%and3A_360, %add3A_14], %gather3A_363 : memref<32x128xf32, #tpu.memory_space<vmem>>[vector<16xi32>, vector<16xi32>], vector<16xf32>,
        %gather3A_364 = tpu.vector_load_idx %arg7[%add3A_17, %and3A_360] : memref<128x32xf32, #tpu.memory_space<vmem>>[vector<16xi32>, vector<16xi32>], vector<16xf32>,
        tpu.vector_store_idx %arg9[%and3A_360, %add3A_17], %gather3A_364 : memref<32x128xf32, #tpu.memory_space<vmem>>[vector<16xi32>, vector<16xi32>], vector<16xf32>,
        %gather3A_365 = tpu.vector_load_idx %arg7[%add3A_20, %and3A_360] : memref<128x32xf32, #tpu.memory_space<vmem>>[vector<16xi32>, vector<16xi32>], vector<16xf32>,
        tpu.vector_store_idx %arg9[%and3A_360, %add3A_20], %gather3A_365 : memref<32x128xf32, #tpu.memory_space<vmem>>[vector<16xi32>, vector<16xi32>], vector<16xf32>,
        %gather3A_366 = tpu.vector_load_idx %arg7[%add3A_23, %and3A_360] : memref<128x32xf32, #tpu.memory_space<vmem>>[vector<16xi32>, vector<16xi32>], vector<16xf32>,
        tpu.vector_store_idx %arg9[%and3A_360, %add3A_23], %gather3A_366 : memref<32x128xf32, #tpu.memory_space<vmem>>[vector<16xi32>, vector<16xi32>], vector<16xf32>,
        %gather3A_367 = tpu.vector_load_idx %arg7[%add3A_26, %and3A_360] : memref<128x32xf32, #tpu.memory_space<vmem>>[vector<16xi32>, vector<16xi32>], vector<16xf32>,
        tpu.vector_store_idx %arg9[%and3A_360, %add3A_26], %gather3A_367 : memref<32x128xf32, #tpu.memory_space<vmem>>[vector<16xi32>, vector<16xi32>], vector<16xf32>,
        %gather3A_368 = tpu.vector_load_idx %arg7[%add3A_29, %and3A_360] : memref<128x32xf32, #tpu.memory_space<vmem>>[vector<16xi32>, vector<16xi32>], vector<16xf32>,
        tpu.vector_store_idx %arg9[%and3A_360, %add3A_29], %gather3A_368 : memref<32x128xf32, #tpu.memory_space<vmem>>[vector<16xi32>, vector<16xi32>], vector<16xf32>,
        %broadcast_in_dim3A_369 = arith.constant 2 : i32
        %broadcast_in_dim3A_370 = vector.broadcast %broadcast_in_dim3A_369 : i32 to vector<16xi32>
        %add3A_371 = arith.addi %add3A_346, %broadcast_in_dim3A_370 : vector<16xi32>
        %and3A_372 = arith.andi %add3A_371, %broadcast_in_dim3A_3 : vector<16xi32>
        %gather3A_373 = tpu.vector_load_idx %arg7[%add3A_8, %and3A_372] : memref<128x32xf32, #tpu.memory_space<vmem>>[vector<16xi32>, vector<16xi32>], vector<16xf32>,
        tpu.vector_store_idx %arg9[%and3A_372, %add3A_8], %gather3A_373 : memref<32x128xf32, #tpu.memory_space<vmem>>[vector<16xi32>, vector<16xi32>], vector<16xf32>,
        %gather3A_374 = tpu.vector_load_idx %arg7[%add3A_11, %and3A_372] : memref<128x32xf32, #tpu.memory_space<vmem>>[vector<16xi32>, vector<16xi32>], vector<16xf32>,
        tpu.vector_store_idx %arg9[%and3A_372, %add3A_11], %gather3A_374 : memref<32x128xf32, #tpu.memory_space<vmem>>[vector<16xi32>, vector<16xi32>], vector<16xf32>,
        %gather3A_375 = tpu.vector_load_idx %arg7[%add3A_14, %and3A_372] : memref<128x32xf32, #tpu.memory_space<vmem>>[vector<16xi32>, vector<16xi32>], vector<16xf32>,
        tpu.vector_store_idx %arg9[%and3A_372, %add3A_14], %gather3A_375 : memref<32x128xf32, #tpu.memory_space<vmem>>[vector<16xi32>, vector<16xi32>], vector<16xf32>,
        %gather3A_376 = tpu.vector_load_idx %arg7[%add3A_17, %and3A_372] : memref<128x32xf32, #tpu.memory_space<vmem>>[vector<16xi32>, vector<16xi32>], vector<16xf32>,
        tpu.vector_store_idx %arg9[%and3A_372, %add3A_17], %gather3A_376 : memref<32x128xf32, #tpu.memory_space<vmem>>[vector<16xi32>, vector<16xi32>], vector<16xf32>,
        %gather3A_377 = tpu.vector_load_idx %arg7[%add3A_20, %and3A_372] : memref<128x32xf32, #tpu.memory_space<vmem>>[vector<16xi32>, vector<16xi32>], vector<16xf32>,
        tpu.vector_store_idx %arg9[%and3A_372, %add3A_20], %gather3A_377 : memref<32x128xf32, #tpu.memory_space<vmem>>[vector<16xi32>, vector<16xi32>], vector<16xf32>,
        %gather3A_378 = tpu.vector_load_idx %arg7[%add3A_23, %and3A_372] : memref<128x32xf32, #tpu.memory_space<vmem>>[vector<16xi32>, vector<16xi32>], vector<16xf32>,
        tpu.vector_store_idx %arg9[%and3A_372, %add3A_23], %gather3A_378 : memref<32x128xf32, #tpu.memory_space<vmem>>[vector<16xi32>, vector<16xi32>], vector<16xf32>,
        %gather3A_379 = tpu.vector_load_idx %arg7[%add3A_26, %and3A_372] : memref<128x32xf32, #tpu.memory_space<vmem>>[vector<16xi32>, vector<16xi32>], vector<16xf32>,
        tpu.vector_store_idx %arg9[%and3A_372, %add3A_26], %gather3A_379 : memref<32x128xf32, #tpu.memory_space<vmem>>[vector<16xi32>, vector<16xi32>], vector<16xf32>,
        %gather3A_380 = tpu.vector_load_idx %arg7[%add3A_29, %and3A_372] : memref<128x32xf32, #tpu.memory_space<vmem>>[vector<16xi32>, vector<16xi32>], vector<16xf32>,
        tpu.vector_store_idx %arg9[%and3A_372, %add3A_29], %gather3A_380 : memref<32x128xf32, #tpu.memory_space<vmem>>[vector<16xi32>, vector<16xi32>], vector<16xf32>,
        %broadcast_in_dim3A_381 = arith.constant 3 : i32
        %broadcast_in_dim3A_382 = vector.broadcast %broadcast_in_dim3A_381 : i32 to vector<16xi32>
        %add3A_383 = arith.addi %add3A_346, %broadcast_in_dim3A_382 : vector<16xi32>
        %and3A_384 = arith.andi %add3A_383, %broadcast_in_dim3A_3 : vector<16xi32>
        %gather3A_385 = tpu.vector_load_idx %arg7[%add3A_8, %and3A_384] : memref<128x32xf32, #tpu.memory_space<vmem>>[vector<16xi32>, vector<16xi32>], vector<16xf32>,
        tpu.vector_store_idx %arg9[%and3A_384, %add3A_8], %gather3A_385 : memref<32x128xf32, #tpu.memory_space<vmem>>[vector<16xi32>, vector<16xi32>], vector<16xf32>,
        %gather3A_386 = tpu.vector_load_idx %arg7[%add3A_11, %and3A_384] : memref<128x32xf32, #tpu.memory_space<vmem>>[vector<16xi32>, vector<16xi32>], vector<16xf32>,
        tpu.vector_store_idx %arg9[%and3A_384, %add3A_11], %gather3A_386 : memref<32x128xf32, #tpu.memory_space<vmem>>[vector<16xi32>, vector<16xi32>], vector<16xf32>,
        %gather3A_387 = tpu.vector_load_idx %arg7[%add3A_14, %and3A_384] : memref<128x32xf32, #tpu.memory_space<vmem>>[vector<16xi32>, vector<16xi32>], vector<16xf32>,
        tpu.vector_store_idx %arg9[%and3A_384, %add3A_14], %gather3A_387 : memref<32x128xf32, #tpu.memory_space<vmem>>[vector<16xi32>, vector<16xi32>], vector<16xf32>,
        %gather3A_388 = tpu.vector_load_idx %arg7[%add3A_17, %and3A_384] : memref<128x32xf32, #tpu.memory_space<vmem>>[vector<16xi32>, vector<16xi32>], vector<16xf32>,
        tpu.vector_store_idx %arg9[%and3A_384, %add3A_17], %gather3A_388 : memref<32x128xf32, #tpu.memory_space<vmem>>[vector<16xi32>, vector<16xi32>], vector<16xf32>,
        %gather3A_389 = tpu.vector_load_idx %arg7[%add3A_20, %and3A_384] : memref<128x32xf32, #tpu.memory_space<vmem>>[vector<16xi32>, vector<16xi32>], vector<16xf32>,
        tpu.vector_store_idx %arg9[%and3A_384, %add3A_20], %gather3A_389 : memref<32x128xf32, #tpu.memory_space<vmem>>[vector<16xi32>, vector<16xi32>], vector<16xf32>,
        %gather3A_390 = tpu.vector_load_idx %arg7[%add3A_23, %and3A_384] : memref<128x32xf32, #tpu.memory_space<vmem>>[vector<16xi32>, vector<16xi32>], vector<16xf32>,
        tpu.vector_store_idx %arg9[%and3A_384, %add3A_23], %gather3A_390 : memref<32x128xf32, #tpu.memory_space<vmem>>[vector<16xi32>, vector<16xi32>], vector<16xf32>,
        %gather3A_391 = tpu.vector_load_idx %arg7[%add3A_26, %and3A_384] : memref<128x32xf32, #tpu.memory_space<vmem>>[vector<16xi32>, vector<16xi32>], vector<16xf32>,
        tpu.vector_store_idx %arg9[%and3A_384, %add3A_26], %gather3A_391 : memref<32x128xf32, #tpu.memory_space<vmem>>[vector<16xi32>, vector<16xi32>], vector<16xf32>,
        %gather3A_392 = tpu.vector_load_idx %arg7[%add3A_29, %and3A_384] : memref<128x32xf32, #tpu.memory_space<vmem>>[vector<16xi32>, vector<16xi32>], vector<16xf32>,
        tpu.vector_store_idx %arg9[%and3A_384, %add3A_29], %gather3A_392 : memref<32x128xf32, #tpu.memory_space<vmem>>[vector<16xi32>, vector<16xi32>], vector<16xf32>,
      }
      %scan3A_274 = arith.constant 8 : i32
      %add3A_275 = arith.constant 1 : i32
      %add3A_276 = arith.addi %mul3A_177, %add3A_275 : i32
      %dma_start3A_277 = arith.constant 0 : i32
      %dma_start3A_278 = arith.constant 0 : i32
      %dma_start3A_279 = arith.constant 0 : i32
      %dma_start3A_280 = tpu.memref_slice %arg9[%dma_start3A_278, %dma_start3A_279] : memref<32x128xf32, #tpu.memory_space<vmem>> -> memref<8x128xf32, #tpu.memory_space<vmem>>
      %dma_start3A_281 = arith.constant 0 : i32
      %dma_start3A_282 = arith.constant 0 : i32
      %dma_start3A_283 = tpu.memref_slice %arg4[%add3A_276, %dma_start3A_277, %add3A, %dma_start3A_281, %dma_start3A_282] : memref<200x4x32x8x128xf32, #tpu.memory_space<hbm>> -> memref<1x1x1x8x128xf32, #tpu.memory_space<hbm>>
      %dma_start3A_284 = tpu.memref_squeeze %dma_start3A_283 : memref<1x1x1x8x128xf32, #tpu.memory_space<hbm>> -> memref<8x128xf32, #tpu.memory_space<hbm>>
      %dma_start3A_285 = arith.constant 0 : i32
      %dma_start3A_286 = arith.constant 0 : i32
      %dma_start3A_287 = tpu.memref_slice %arg4[%add3A_276, %dma_start3A_277, %add3A, %dma_start3A_285, %dma_start3A_286] : memref<200x4x32x8x128xf32, #tpu.memory_space<hbm>> -> memref<1x1x1x8x128xf32, #tpu.memory_space<hbm>>
      %dma_start3A_288 = tpu.memref_squeeze %dma_start3A_287 : memref<1x1x1x8x128xf32, #tpu.memory_space<hbm>> -> memref<8x128xf32, #tpu.memory_space<hbm>>
      %dma_start3A_289 = arith.constant 0 : i32
      %dma_start3A_290 = arith.constant 0 : i32
      %dma_start3A_291 = tpu.memref_slice %arg9[%dma_start3A_289, %dma_start3A_290] : memref<32x128xf32, #tpu.memory_space<vmem>> -> memref<8x128xf32, #tpu.memory_space<vmem>>
      tpu.enqueue_dma source(%dma_start3A_291 : memref<8x128xf32, #tpu.memory_space<vmem>>) target(%dma_start3A_288 : memref<8x128xf32, #tpu.memory_space<hbm>>) target_semaphore(%arg13 : memref<!tpu.dma_semaphore, #tpu.memory_space<semaphore_mem>>)
      %dma_start3A_292 = arith.constant 1 : i32
      %dma_start3A_293 = arith.constant 8 : i32
      %dma_start3A_294 = arith.constant 0 : i32
      %dma_start3A_295 = tpu.memref_slice %arg9[%dma_start3A_293, %dma_start3A_294] : memref<32x128xf32, #tpu.memory_space<vmem>> -> memref<8x128xf32, #tpu.memory_space<vmem>>
      %dma_start3A_296 = arith.constant 0 : i32
      %dma_start3A_297 = arith.constant 0 : i32
      %dma_start3A_298 = tpu.memref_slice %arg4[%add3A_276, %dma_start3A_292, %add3A, %dma_start3A_296, %dma_start3A_297] : memref<200x4x32x8x128xf32, #tpu.memory_space<hbm>> -> memref<1x1x1x8x128xf32, #tpu.memory_space<hbm>>
      %dma_start3A_299 = tpu.memref_squeeze %dma_start3A_298 : memref<1x1x1x8x128xf32, #tpu.memory_space<hbm>> -> memref<8x128xf32, #tpu.memory_space<hbm>>
      %dma_start3A_300 = arith.constant 0 : i32
      %dma_start3A_301 = arith.constant 0 : i32
      %dma_start3A_302 = tpu.memref_slice %arg4[%add3A_276, %dma_start3A_292, %add3A, %dma_start3A_300, %dma_start3A_301] : memref<200x4x32x8x128xf32, #tpu.memory_space<hbm>> -> memref<1x1x1x8x128xf32, #tpu.memory_space<hbm>>
      %dma_start3A_303 = tpu.memref_squeeze %dma_start3A_302 : memref<1x1x1x8x128xf32, #tpu.memory_space<hbm>> -> memref<8x128xf32, #tpu.memory_space<hbm>>
      %dma_start3A_304 = arith.constant 8 : i32
      %dma_start3A_305 = arith.constant 0 : i32
      %dma_start3A_306 = tpu.memref_slice %arg9[%dma_start3A_304, %dma_start3A_305] : memref<32x128xf32, #tpu.memory_space<vmem>> -> memref<8x128xf32, #tpu.memory_space<vmem>>
      tpu.enqueue_dma source(%dma_start3A_306 : memref<8x128xf32, #tpu.memory_space<vmem>>) target(%dma_start3A_303 : memref<8x128xf32, #tpu.memory_space<hbm>>) target_semaphore(%arg13 : memref<!tpu.dma_semaphore, #tpu.memory_space<semaphore_mem>>)
      %dma_start3A_307 = arith.constant 2 : i32
      %dma_start3A_308 = arith.constant 16 : i32
      %dma_start3A_309 = arith.constant 0 : i32
      %dma_start3A_310 = tpu.memref_slice %arg9[%dma_start3A_308, %dma_start3A_309] : memref<32x128xf32, #tpu.memory_space<vmem>> -> memref<8x128xf32, #tpu.memory_space<vmem>>
      %dma_start3A_311 = arith.constant 0 : i32
      %dma_start3A_312 = arith.constant 0 : i32
      %dma_start3A_313 = tpu.memref_slice %arg4[%add3A_276, %dma_start3A_307, %add3A, %dma_start3A_311, %dma_start3A_312] : memref<200x4x32x8x128xf32, #tpu.memory_space<hbm>> -> memref<1x1x1x8x128xf32, #tpu.memory_space<hbm>>
      %dma_start3A_314 = tpu.memref_squeeze %dma_start3A_313 : memref<1x1x1x8x128xf32, #tpu.memory_space<hbm>> -> memref<8x128xf32, #tpu.memory_space<hbm>>
      %dma_start3A_315 = arith.constant 0 : i32
      %dma_start3A_316 = arith.constant 0 : i32
      %dma_start3A_317 = tpu.memref_slice %arg4[%add3A_276, %dma_start3A_307, %add3A, %dma_start3A_315, %dma_start3A_316] : memref<200x4x32x8x128xf32, #tpu.memory_space<hbm>> -> memref<1x1x1x8x128xf32, #tpu.memory_space<hbm>>
      %dma_start3A_318 = tpu.memref_squeeze %dma_start3A_317 : memref<1x1x1x8x128xf32, #tpu.memory_space<hbm>> -> memref<8x128xf32, #tpu.memory_space<hbm>>
      %dma_start3A_319 = arith.constant 16 : i32
      %dma_start3A_320 = arith.constant 0 : i32
      %dma_start3A_321 = tpu.memref_slice %arg9[%dma_start3A_319, %dma_start3A_320] : memref<32x128xf32, #tpu.memory_space<vmem>> -> memref<8x128xf32, #tpu.memory_space<vmem>>
      tpu.enqueue_dma source(%dma_start3A_321 : memref<8x128xf32, #tpu.memory_space<vmem>>) target(%dma_start3A_318 : memref<8x128xf32, #tpu.memory_space<hbm>>) target_semaphore(%arg13 : memref<!tpu.dma_semaphore, #tpu.memory_space<semaphore_mem>>)
      %dma_start3A_322 = arith.constant 3 : i32
      %dma_start3A_323 = arith.constant 24 : i32
      %dma_start3A_324 = arith.constant 0 : i32
      %dma_start3A_325 = tpu.memref_slice %arg9[%dma_start3A_323, %dma_start3A_324] : memref<32x128xf32, #tpu.memory_space<vmem>> -> memref<8x128xf32, #tpu.memory_space<vmem>>
      %dma_start3A_326 = arith.constant 0 : i32
      %dma_start3A_327 = arith.constant 0 : i32
      %dma_start3A_328 = tpu.memref_slice %arg4[%add3A_276, %dma_start3A_322, %add3A, %dma_start3A_326, %dma_start3A_327] : memref<200x4x32x8x128xf32, #tpu.memory_space<hbm>> -> memref<1x1x1x8x128xf32, #tpu.memory_space<hbm>>
      %dma_start3A_329 = tpu.memref_squeeze %dma_start3A_328 : memref<1x1x1x8x128xf32, #tpu.memory_space<hbm>> -> memref<8x128xf32, #tpu.memory_space<hbm>>
      %dma_start3A_330 = arith.constant 0 : i32
      %dma_start3A_331 = arith.constant 0 : i32
      %dma_start3A_332 = tpu.memref_slice %arg4[%add3A_276, %dma_start3A_322, %add3A, %dma_start3A_330, %dma_start3A_331] : memref<200x4x32x8x128xf32, #tpu.memory_space<hbm>> -> memref<1x1x1x8x128xf32, #tpu.memory_space<hbm>>
      %dma_start3A_333 = tpu.memref_squeeze %dma_start3A_332 : memref<1x1x1x8x128xf32, #tpu.memory_space<hbm>> -> memref<8x128xf32, #tpu.memory_space<hbm>>
      %dma_start3A_334 = arith.constant 24 : i32
      %dma_start3A_335 = arith.constant 0 : i32
      %dma_start3A_336 = tpu.memref_slice %arg9[%dma_start3A_334, %dma_start3A_335] : memref<32x128xf32, #tpu.memory_space<vmem>> -> memref<8x128xf32, #tpu.memory_space<vmem>>
      tpu.enqueue_dma source(%dma_start3A_336 : memref<8x128xf32, #tpu.memory_space<vmem>>) target(%dma_start3A_333 : memref<8x128xf32, #tpu.memory_space<hbm>>) target_semaphore(%arg13 : memref<!tpu.dma_semaphore, #tpu.memory_space<semaphore_mem>>)
      %lt3A_337 = arith.constant 99 : i32
      %lt3A_338 = arith.cmpi slt, %scan3A_175, %lt3A_337 : i32
      %convert_element_type3A_339 = arith.extui %lt3A_338 : i1 to i32
      %cond3A_340 = arith.constant 0 : i32
      %cond3A_341 = arith.cmpi ne, %convert_element_type3A_339, %cond3A_340 : i32
      scf.if %cond3A_341 {
        %add3A_342 = arith.constant 3 : i32
        %add3A_343 = arith.addi %mul3A_177, %add3A_342 : i32
        %dma_start3A_344 = arith.constant 0 : i32
        %dma_start3A_345 = tpu.memref_slice %arg5[%add3A_343, %dma_start3A_344] : memref<200x128xi32, #tpu.memory_space<vmem>> -> memref<1x128xi32, #tpu.memory_space<vmem>>
        %dma_start3A_346 = tpu.memref_squeeze %dma_start3A_345 : memref<1x128xi32, #tpu.memory_space<vmem>> -> memref<128xi32, #tpu.memory_space<vmem>>
        %dma_start3A_347 = arith.constant 0 : i32
        %dma_start3A_348 = arith.constant 0 : i32
        %dma_start3A_349 = tpu.memref_slice %arg2[%dma_start3A_347, %dma_start3A_348] : memref<1000000x32xf32, #tpu.memory_space<hbm>> -> memref<1000000x32xf32, #tpu.memory_space<hbm>>
        tpu.enqueue_indirect_dma source(%dma_start3A_349 : memref<1000000x32xf32, #tpu.memory_space<hbm>>) target(%arg7 : memref<128x32xf32, #tpu.memory_space<vmem>>) offsets(%dma_start3A_346 : memref<128xi32, #tpu.memory_space<vmem>>) semaphore(%arg11 : memref<!tpu.dma_semaphore, #tpu.memory_space<semaphore_mem>>)
      } else {
      }
    }
    %scan3A_47 = arith.constant 100 : i32
    %dma_wait3A = arith.constant 198 : i32
    %dma_wait3A_48 = arith.constant 0 : i32
    %dma_wait3A_49 = arith.constant 0 : i32
    %dma_wait3A_50 = arith.constant 0 : i32
    %dma_wait3A_51 = tpu.memref_slice %arg8[%dma_wait3A_49, %dma_wait3A_50] : memref<32x128xf32, #tpu.memory_space<vmem>> -> memref<8x128xf32, #tpu.memory_space<vmem>>
    %dma_wait3A_52 = arith.constant 0 : i32
    %dma_wait3A_53 = arith.constant 0 : i32
    %dma_wait3A_54 = tpu.memref_slice %arg4[%dma_wait3A, %dma_wait3A_48, %add3A, %dma_wait3A_52, %dma_wait3A_53] : memref<200x4x32x8x128xf32, #tpu.memory_space<hbm>> -> memref<1x1x1x8x128xf32, #tpu.memory_space<hbm>>
    %dma_wait3A_55 = tpu.memref_squeeze %dma_wait3A_54 : memref<1x1x1x8x128xf32, #tpu.memory_space<hbm>> -> memref<8x128xf32, #tpu.memory_space<hbm>>
    %dma_wait3A_56 = arith.constant 0 : i32
    %dma_wait3A_57 = arith.constant 0 : i32
    %dma_wait3A_58 = tpu.memref_slice %arg4[%dma_wait3A, %dma_wait3A_48, %add3A, %dma_wait3A_56, %dma_wait3A_57] : memref<200x4x32x8x128xf32, #tpu.memory_space<hbm>> -> memref<1x1x1x8x128xf32, #tpu.memory_space<hbm>>
    %dma_wait3A_59 = tpu.memref_squeeze %dma_wait3A_58 : memref<1x1x1x8x128xf32, #tpu.memory_space<hbm>> -> memref<8x128xf32, #tpu.memory_space<hbm>>
    %dma_wait3A_60 = arith.constant 0 : i32
    %dma_wait3A_61 = arith.constant 0 : i32
    %dma_wait3A_62 = tpu.memref_slice %arg8[%dma_wait3A_60, %dma_wait3A_61] : memref<32x128xf32, #tpu.memory_space<vmem>> -> memref<8x128xf32, #tpu.memory_space<vmem>>
    tpu.wait_dma2 semaphore(%arg12 : memref<!tpu.dma_semaphore, #tpu.memory_space<semaphore_mem>>) src(%dma_wait3A_62 : memref<8x128xf32, #tpu.memory_space<vmem>>) dst(%dma_wait3A_59 : memref<8x128xf32, #tpu.memory_space<hbm>>)
    %dma_wait3A_63 = arith.constant 198 : i32
    %dma_wait3A_64 = arith.constant 1 : i32
    %dma_wait3A_65 = arith.constant 8 : i32
    %dma_wait3A_66 = arith.constant 0 : i32
    %dma_wait3A_67 = tpu.memref_slice %arg8[%dma_wait3A_65, %dma_wait3A_66] : memref<32x128xf32, #tpu.memory_space<vmem>> -> memref<8x128xf32, #tpu.memory_space<vmem>>
    %dma_wait3A_68 = arith.constant 0 : i32
    %dma_wait3A_69 = arith.constant 0 : i32
    %dma_wait3A_70 = tpu.memref_slice %arg4[%dma_wait3A_63, %dma_wait3A_64, %add3A, %dma_wait3A_68, %dma_wait3A_69] : memref<200x4x32x8x128xf32, #tpu.memory_space<hbm>> -> memref<1x1x1x8x128xf32, #tpu.memory_space<hbm>>
    %dma_wait3A_71 = tpu.memref_squeeze %dma_wait3A_70 : memref<1x1x1x8x128xf32, #tpu.memory_space<hbm>> -> memref<8x128xf32, #tpu.memory_space<hbm>>
    %dma_wait3A_72 = arith.constant 0 : i32
    %dma_wait3A_73 = arith.constant 0 : i32
    %dma_wait3A_74 = tpu.memref_slice %arg4[%dma_wait3A_63, %dma_wait3A_64, %add3A, %dma_wait3A_72, %dma_wait3A_73] : memref<200x4x32x8x128xf32, #tpu.memory_space<hbm>> -> memref<1x1x1x8x128xf32, #tpu.memory_space<hbm>>
    %dma_wait3A_75 = tpu.memref_squeeze %dma_wait3A_74 : memref<1x1x1x8x128xf32, #tpu.memory_space<hbm>> -> memref<8x128xf32, #tpu.memory_space<hbm>>
    %dma_wait3A_76 = arith.constant 8 : i32
    %dma_wait3A_77 = arith.constant 0 : i32
    %dma_wait3A_78 = tpu.memref_slice %arg8[%dma_wait3A_76, %dma_wait3A_77] : memref<32x128xf32, #tpu.memory_space<vmem>> -> memref<8x128xf32, #tpu.memory_space<vmem>>
    tpu.wait_dma2 semaphore(%arg12 : memref<!tpu.dma_semaphore, #tpu.memory_space<semaphore_mem>>) src(%dma_wait3A_78 : memref<8x128xf32, #tpu.memory_space<vmem>>) dst(%dma_wait3A_75 : memref<8x128xf32, #tpu.memory_space<hbm>>)
    %dma_wait3A_79 = arith.constant 198 : i32
    %dma_wait3A_80 = arith.constant 2 : i32
    %dma_wait3A_81 = arith.constant 16 : i32
    %dma_wait3A_82 = arith.constant 0 : i32
    %dma_wait3A_83 = tpu.memref_slice %arg8[%dma_wait3A_81, %dma_wait3A_82] : memref<32x128xf32, #tpu.memory_space<vmem>> -> memref<8x128xf32, #tpu.memory_space<vmem>>
    %dma_wait3A_84 = arith.constant 0 : i32
    %dma_wait3A_85 = arith.constant 0 : i32
    %dma_wait3A_86 = tpu.memref_slice %arg4[%dma_wait3A_79, %dma_wait3A_80, %add3A, %dma_wait3A_84, %dma_wait3A_85] : memref<200x4x32x8x128xf32, #tpu.memory_space<hbm>> -> memref<1x1x1x8x128xf32, #tpu.memory_space<hbm>>
    %dma_wait3A_87 = tpu.memref_squeeze %dma_wait3A_86 : memref<1x1x1x8x128xf32, #tpu.memory_space<hbm>> -> memref<8x128xf32, #tpu.memory_space<hbm>>
    %dma_wait3A_88 = arith.constant 0 : i32
    %dma_wait3A_89 = arith.constant 0 : i32
    %dma_wait3A_90 = tpu.memref_slice %arg4[%dma_wait3A_79, %dma_wait3A_80, %add3A, %dma_wait3A_88, %dma_wait3A_89] : memref<200x4x32x8x128xf32, #tpu.memory_space<hbm>> -> memref<1x1x1x8x128xf32, #tpu.memory_space<hbm>>
    %dma_wait3A_91 = tpu.memref_squeeze %dma_wait3A_90 : memref<1x1x1x8x128xf32, #tpu.memory_space<hbm>> -> memref<8x128xf32, #tpu.memory_space<hbm>>
    %dma_wait3A_92 = arith.constant 16 : i32
    %dma_wait3A_93 = arith.constant 0 : i32
    %dma_wait3A_94 = tpu.memref_slice %arg8[%dma_wait3A_92, %dma_wait3A_93] : memref<32x128xf32, #tpu.memory_space<vmem>> -> memref<8x128xf32, #tpu.memory_space<vmem>>
    tpu.wait_dma2 semaphore(%arg12 : memref<!tpu.dma_semaphore, #tpu.memory_space<semaphore_mem>>) src(%dma_wait3A_94 : memref<8x128xf32, #tpu.memory_space<vmem>>) dst(%dma_wait3A_91 : memref<8x128xf32, #tpu.memory_space<hbm>>)
    %dma_wait3A_95 = arith.constant 198 : i32
    %dma_wait3A_96 = arith.constant 3 : i32
    %dma_wait3A_97 = arith.constant 24 : i32
    %dma_wait3A_98 = arith.constant 0 : i32
    %dma_wait3A_99 = tpu.memref_slice %arg8[%dma_wait3A_97, %dma_wait3A_98] : memref<32x128xf32, #tpu.memory_space<vmem>> -> memref<8x128xf32, #tpu.memory_space<vmem>>
    %dma_wait3A_100 = arith.constant 0 : i32
    %dma_wait3A_101 = arith.constant 0 : i32
    %dma_wait3A_102 = tpu.memref_slice %arg4[%dma_wait3A_95, %dma_wait3A_96, %add3A, %dma_wait3A_100, %dma_wait3A_101] : memref<200x4x32x8x128xf32, #tpu.memory_space<hbm>> -> memref<1x1x1x8x128xf32, #tpu.memory_space<hbm>>
    %dma_wait3A_103 = tpu.memref_squeeze %dma_wait3A_102 : memref<1x1x1x8x128xf32, #tpu.memory_space<hbm>> -> memref<8x128xf32, #tpu.memory_space<hbm>>
    %dma_wait3A_104 = arith.constant 0 : i32
    %dma_wait3A_105 = arith.constant 0 : i32
    %dma_wait3A_106 = tpu.memref_slice %arg4[%dma_wait3A_95, %dma_wait3A_96, %add3A, %dma_wait3A_104, %dma_wait3A_105] : memref<200x4x32x8x128xf32, #tpu.memory_space<hbm>> -> memref<1x1x1x8x128xf32, #tpu.memory_space<hbm>>
    %dma_wait3A_107 = tpu.memref_squeeze %dma_wait3A_106 : memref<1x1x1x8x128xf32, #tpu.memory_space<hbm>> -> memref<8x128xf32, #tpu.memory_space<hbm>>
    %dma_wait3A_108 = arith.constant 24 : i32
    %dma_wait3A_109 = arith.constant 0 : i32
    %dma_wait3A_110 = tpu.memref_slice %arg8[%dma_wait3A_108, %dma_wait3A_109] : memref<32x128xf32, #tpu.memory_space<vmem>> -> memref<8x128xf32, #tpu.memory_space<vmem>>
    tpu.wait_dma2 semaphore(%arg12 : memref<!tpu.dma_semaphore, #tpu.memory_space<semaphore_mem>>) src(%dma_wait3A_110 : memref<8x128xf32, #tpu.memory_space<vmem>>) dst(%dma_wait3A_107 : memref<8x128xf32, #tpu.memory_space<hbm>>)
    %dma_wait3A_111 = arith.constant 199 : i32
    %dma_wait3A_112 = arith.constant 0 : i32
    %dma_wait3A_113 = arith.constant 0 : i32
    %dma_wait3A_114 = arith.constant 0 : i32
    %dma_wait3A_115 = tpu.memref_slice %arg9[%dma_wait3A_113, %dma_wait3A_114] : memref<32x128xf32, #tpu.memory_space<vmem>> -> memref<8x128xf32, #tpu.memory_space<vmem>>
    %dma_wait3A_116 = arith.constant 0 : i32
    %dma_wait3A_117 = arith.constant 0 : i32
    %dma_wait3A_118 = tpu.memref_slice %arg4[%dma_wait3A_111, %dma_wait3A_112, %add3A, %dma_wait3A_116, %dma_wait3A_117] : memref<200x4x32x8x128xf32, #tpu.memory_space<hbm>> -> memref<1x1x1x8x128xf32, #tpu.memory_space<hbm>>
    %dma_wait3A_119 = tpu.memref_squeeze %dma_wait3A_118 : memref<1x1x1x8x128xf32, #tpu.memory_space<hbm>> -> memref<8x128xf32, #tpu.memory_space<hbm>>
    %dma_wait3A_120 = arith.constant 0 : i32
    %dma_wait3A_121 = arith.constant 0 : i32
    %dma_wait3A_122 = tpu.memref_slice %arg4[%dma_wait3A_111, %dma_wait3A_112, %add3A, %dma_wait3A_120, %dma_wait3A_121] : memref<200x4x32x8x128xf32, #tpu.memory_space<hbm>> -> memref<1x1x1x8x128xf32, #tpu.memory_space<hbm>>
    %dma_wait3A_123 = tpu.memref_squeeze %dma_wait3A_122 : memref<1x1x1x8x128xf32, #tpu.memory_space<hbm>> -> memref<8x128xf32, #tpu.memory_space<hbm>>
    %dma_wait3A_124 = arith.constant 0 : i32
    %dma_wait3A_125 = arith.constant 0 : i32
    %dma_wait3A_126 = tpu.memref_slice %arg9[%dma_wait3A_124, %dma_wait3A_125] : memref<32x128xf32, #tpu.memory_space<vmem>> -> memref<8x128xf32, #tpu.memory_space<vmem>>
    tpu.wait_dma2 semaphore(%arg13 : memref<!tpu.dma_semaphore, #tpu.memory_space<semaphore_mem>>) src(%dma_wait3A_126 : memref<8x128xf32, #tpu.memory_space<vmem>>) dst(%dma_wait3A_123 : memref<8x128xf32, #tpu.memory_space<hbm>>)
    %dma_wait3A_127 = arith.constant 199 : i32
    %dma_wait3A_128 = arith.constant 1 : i32
    %dma_wait3A_129 = arith.constant 8 : i32
    %dma_wait3A_130 = arith.constant 0 : i32
    %dma_wait3A_131 = tpu.memref_slice %arg9[%dma_wait3A_129, %dma_wait3A_130] : memref<32x128xf32, #tpu.memory_space<vmem>> -> memref<8x128xf32, #tpu.memory_space<vmem>>
    %dma_wait3A_132 = arith.constant 0 : i32
    %dma_wait3A_133 = arith.constant 0 : i32
    %dma_wait3A_134 = tpu.memref_slice %arg4[%dma_wait3A_127, %dma_wait3A_128, %add3A, %dma_wait3A_132, %dma_wait3A_133] : memref<200x4x32x8x128xf32, #tpu.memory_space<hbm>> -> memref<1x1x1x8x128xf32, #tpu.memory_space<hbm>>
    %dma_wait3A_135 = tpu.memref_squeeze %dma_wait3A_134 : memref<1x1x1x8x128xf32, #tpu.memory_space<hbm>> -> memref<8x128xf32, #tpu.memory_space<hbm>>
    %dma_wait3A_136 = arith.constant 0 : i32
    %dma_wait3A_137 = arith.constant 0 : i32
    %dma_wait3A_138 = tpu.memref_slice %arg4[%dma_wait3A_127, %dma_wait3A_128, %add3A, %dma_wait3A_136, %dma_wait3A_137] : memref<200x4x32x8x128xf32, #tpu.memory_space<hbm>> -> memref<1x1x1x8x128xf32, #tpu.memory_space<hbm>>
    %dma_wait3A_139 = tpu.memref_squeeze %dma_wait3A_138 : memref<1x1x1x8x128xf32, #tpu.memory_space<hbm>> -> memref<8x128xf32, #tpu.memory_space<hbm>>
    %dma_wait3A_140 = arith.constant 8 : i32
    %dma_wait3A_141 = arith.constant 0 : i32
    %dma_wait3A_142 = tpu.memref_slice %arg9[%dma_wait3A_140, %dma_wait3A_141] : memref<32x128xf32, #tpu.memory_space<vmem>> -> memref<8x128xf32, #tpu.memory_space<vmem>>
    tpu.wait_dma2 semaphore(%arg13 : memref<!tpu.dma_semaphore, #tpu.memory_space<semaphore_mem>>) src(%dma_wait3A_142 : memref<8x128xf32, #tpu.memory_space<vmem>>) dst(%dma_wait3A_139 : memref<8x128xf32, #tpu.memory_space<hbm>>)
    %dma_wait3A_143 = arith.constant 199 : i32
    %dma_wait3A_144 = arith.constant 2 : i32
    %dma_wait3A_145 = arith.constant 16 : i32
    %dma_wait3A_146 = arith.constant 0 : i32
    %dma_wait3A_147 = tpu.memref_slice %arg9[%dma_wait3A_145, %dma_wait3A_146] : memref<32x128xf32, #tpu.memory_space<vmem>> -> memref<8x128xf32, #tpu.memory_space<vmem>>
    %dma_wait3A_148 = arith.constant 0 : i32
    %dma_wait3A_149 = arith.constant 0 : i32
    %dma_wait3A_150 = tpu.memref_slice %arg4[%dma_wait3A_143, %dma_wait3A_144, %add3A, %dma_wait3A_148, %dma_wait3A_149] : memref<200x4x32x8x128xf32, #tpu.memory_space<hbm>> -> memref<1x1x1x8x128xf32, #tpu.memory_space<hbm>>
    %dma_wait3A_151 = tpu.memref_squeeze %dma_wait3A_150 : memref<1x1x1x8x128xf32, #tpu.memory_space<hbm>> -> memref<8x128xf32, #tpu.memory_space<hbm>>
    %dma_wait3A_152 = arith.constant 0 : i32
    %dma_wait3A_153 = arith.constant 0 : i32
    %dma_wait3A_154 = tpu.memref_slice %arg4[%dma_wait3A_143, %dma_wait3A_144, %add3A, %dma_wait3A_152, %dma_wait3A_153] : memref<200x4x32x8x128xf32, #tpu.memory_space<hbm>> -> memref<1x1x1x8x128xf32, #tpu.memory_space<hbm>>
    %dma_wait3A_155 = tpu.memref_squeeze %dma_wait3A_154 : memref<1x1x1x8x128xf32, #tpu.memory_space<hbm>> -> memref<8x128xf32, #tpu.memory_space<hbm>>
    %dma_wait3A_156 = arith.constant 16 : i32
    %dma_wait3A_157 = arith.constant 0 : i32
    %dma_wait3A_158 = tpu.memref_slice %arg9[%dma_wait3A_156, %dma_wait3A_157] : memref<32x128xf32, #tpu.memory_space<vmem>> -> memref<8x128xf32, #tpu.memory_space<vmem>>
    tpu.wait_dma2 semaphore(%arg13 : memref<!tpu.dma_semaphore, #tpu.memory_space<semaphore_mem>>) src(%dma_wait3A_158 : memref<8x128xf32, #tpu.memory_space<vmem>>) dst(%dma_wait3A_155 : memref<8x128xf32, #tpu.memory_space<hbm>>)
    %dma_wait3A_159 = arith.constant 199 : i32
    %dma_wait3A_160 = arith.constant 3 : i32
    %dma_wait3A_161 = arith.constant 24 : i32
    %dma_wait3A_162 = arith.constant 0 : i32
    %dma_wait3A_163 = tpu.memref_slice %arg9[%dma_wait3A_161, %dma_wait3A_162] : memref<32x128xf32, #tpu.memory_space<vmem>> -> memref<8x128xf32, #tpu.memory_space<vmem>>
    %dma_wait3A_164 = arith.constant 0 : i32
    %dma_wait3A_165 = arith.constant 0 : i32
    %dma_wait3A_166 = tpu.memref_slice %arg4[%dma_wait3A_159, %dma_wait3A_160, %add3A, %dma_wait3A_164, %dma_wait3A_165] : memref<200x4x32x8x128xf32, #tpu.memory_space<hbm>> -> memref<1x1x1x8x128xf32, #tpu.memory_space<hbm>>
    %dma_wait3A_167 = tpu.memref_squeeze %dma_wait3A_166 : memref<1x1x1x8x128xf32, #tpu.memory_space<hbm>> -> memref<8x128xf32, #tpu.memory_space<hbm>>
    %dma_wait3A_168 = arith.constant 0 : i32
    %dma_wait3A_169 = arith.constant 0 : i32
    %dma_wait3A_170 = tpu.memref_slice %arg4[%dma_wait3A_159, %dma_wait3A_160, %add3A, %dma_wait3A_168, %dma_wait3A_169] : memref<200x4x32x8x128xf32, #tpu.memory_space<hbm>> -> memref<1x1x1x8x128xf32, #tpu.memory_space<hbm>>
    %dma_wait3A_171 = tpu.memref_squeeze %dma_wait3A_170 : memref<1x1x1x8x128xf32, #tpu.memory_space<hbm>> -> memref<8x128xf32, #tpu.memory_space<hbm>>
    %dma_wait3A_172 = arith.constant 24 : i32
    %dma_wait3A_173 = arith.constant 0 : i32
    %dma_wait3A_174 = tpu.memref_slice %arg9[%dma_wait3A_172, %dma_wait3A_173] : memref<32x128xf32, #tpu.memory_space<vmem>> -> memref<8x128xf32, #tpu.memory_space<vmem>>
    tpu.wait_dma2 semaphore(%arg13 : memref<!tpu.dma_semaphore, #tpu.memory_space<semaphore_mem>>) src(%dma_wait3A_174 : memref<8x128xf32, #tpu.memory_space<vmem>>) dst(%dma_wait3A_171 : memref<8x128xf32, #tpu.memory_space<hbm>>)
    return
  }
}

</mosaic_0001>

<sc_bundles>
// kernel: kernel.3.cloned.1.call-start
scs
__scs_entry_jumppad:
0x0: {  	(pc) =	sbr.rel $0x88, $3  }
0x1: {  	(tag) =	ssettag $0x0;
	lr =	simm.s32 $0x1  }
0x2: {  	[smem:$0x3F9F] =	sst lr;
	_ =	strace $0xD0000000  }
0x3: {  	_ = 	snop  }
0x4: {  	_ = 	snop  }
0x5: {  	_ = 	snop  }
0x6: {  	_ = 	snop  }
0x7: {  	_ = 	snop  }
__scs_overlays_trampoline_lowered:
0x8: {  	[smem:$0x3FAE] =	sst s0  }
0x9: {  	[smem:$0x3FAF] =	sst s1  }
0xa: {  	[smem:$0x3FB0] =	sst s2  }
0xb: {  	[smem:$0x3FB1] =	sst s3  }
0xc: {  	[smem:$0x3FB2] =	sst s4  }
0xd: {  	[smem:$0x3FB3] =	sst s5  }
0xe: {  	[smem:$0x3FB4] =	sst s6  }
0xf: {  	[smem:$0x3FB5] =	sst s7  }
0x10: {  	[smem:$0x3FB6] =	sst s8  }
0x11: {  	[smem:$0x3FB7] =	sst s9;
	s0 =	simm.s32 @!p0 $0x0  }
0x12: {  	s1 =	sld [smem:$0x3F9D];
	s0 =	simm.s32 @p0 $0x1  }
0x13: {  	[smem:$0x3FB8] =	sst s0;
	s0 =	simm.s32 @!p1 $0x0  }
0x14: {  	s2 =	sld [smem:$0x3F9C];
	s0 =	simm.s32 @p1 $0x1  }
0x15: {  	[smem:$0x3FB9] =	sst s0;
	s0 =	simm.s32 @!p2 $0x0  }
0x16: {  	s3 =	sld [smem:$0x3FDB];
	s0 =	simm.s32 @p2 $0x1  }
0x17: {  	s4 =	simm.s32 $0x1BF5;
	[smem:$0x3FBB] =	sst s0  }
0x18: {  	s0 =	sld [smem:$0x3F9E];
	_ =	swait.ge [sflag:s4], $0x0  }
0x19: {  	s7 =	sld [smem:$0x3F9F]  }
0x1a: {  	s8 =	sadd.s32 $0xFFFFE003, lr  }
0x1b: {  	s9 =	sadd.s32 $0xFFFFFEF7, lr;
	s5 =	simm.s32 $0xFFFFFFFF;
	p2 =	slt.u32 s8, $0xFFFFF086  }
0x1c: {  	p1 =	slt.u32 s9, $0xF7A;
	s5 =	simm.s32 @!p2 $0x0  }
0x1d: {  	s5 =	simm.s32 @p1 $0x1;
	p0 =	seq.s32 s7, s2  }
0x1e: {  	s7 =	smul.u32 @!p0 $0xF7A, s2;
	p2 =	seq.s32 @!p0 s5, $0x0  }
0x1f: {  	s9 =	smul.u32 $0xF7A, s1;
	s8 =	simm.s32 @!p0 $0x1BF5;
	p2 =	por !p2, p0  }
0x20: {  	[sflag:s8] =	ssyncset.s32 @!p0 $0xFFFFF086;
	s6 =	sadd.s32 @!p0 s3, s7;
	s7 =	simm.s32 @!p0 $0x108  }
0x21: {  	s3 =	sadd.s32 s3, s9;
	s6 =	sadd.s32 @!p0 $0x88, s6;
	s7 =	simm.s32 @p2 $0x1082  }
0x22: {  	[simem:s7], [sflag:s8] =	dma.local @!p0 [hbm:s6], $0xF7A  }
0x23: {  	s9 =	sor.u32 $0xD0000000, s2;
	s6 =	simm.s32 $0x108;
	_ =	swait.ge @!p0 [sflag:s8], $0x0  }
0x24: {  	s3 =	sadd.s32 $0x88, s3;
	s6 =	simm.s32 @!p1 $0x1082;
	[sflag:s4] =	ssyncset.s32 $0xFFFFF086  }
0x25: {  	[simem:s6], [sflag:s4] =	dma.local [hbm:s3], $0xF7A  }
0x26: {  	[smem:$0x3F9F] =	sst s1;
	(tag) =	ssettag s2;
	_ =	strace s9  }
0x27: {  	s1 =	sld [smem:$0x3FAF]  }
0x28: {  	s2 =	sld [smem:$0x3FB0]  }
0x29: {  	s4 =	sld [smem:$0x3FB2]  }
0x2a: {  	p0 =	seq.s32 s5, $0x0;
	s5 =	sld [smem:$0x3FB3]  }
0x2b: {  	s6 =	sld [smem:$0x3FB4]  }
0x2c: {  	s7 =	sld [smem:$0x3FB5]  }
0x2d: {  	s3 =	simm.s32 $0x108;
	s8 =	sld [smem:$0x3FB6]  }
0x2e: {  	s3 =	simm.s32 @!p0 $0x1082;
	s9 =	sld [smem:$0x3FB7]  }
0x2f: {  	lr =	sadd.s32 s0, s3;
	s0 =	sld [smem:$0x3FAE]  }
0x30: {  	s3 =	sld [smem:$0x3FB1]  }
0x31: {  	[smem:$0x3FBA] =	sst s10  }
0x32: {  	s10 =	sld [smem:$0x3FB8];
	_ =	sdelay $0x3  }
0x33: {  	p0 =	seq.s32 s10, $0x1;
	s10 =	sld [smem:$0x3FBA];
	_ =	sdelay $0x3  }
0x34: {  	[smem:$0x3FBA] =	sst s10  }
0x35: {  	s10 =	sld [smem:$0x3FB9];
	_ =	sdelay $0x3  }
0x36: {  	p1 =	seq.s32 s10, $0x1;
	s10 =	sld [smem:$0x3FBA];
	_ =	sdelay $0x3  }
0x37: {  	[smem:$0x3FBA] =	sst s10  }
0x38: {  	s10 =	sld [smem:$0x3FBB]  }
0x39: {  	_ = 	snop;
	(pc) =	sbr.ind lr, $3  }
0x3a: {  	_ = 	snop  }
0x3b: {  	_ = 	snop  }
0x3c: {  	p2 =	seq.s32 s10, $0x1;
	s10 =	sld [smem:$0x3FBA]  }
0x3d: {  	_ =	shalt  }
0x3e: {  	_ =	shalt  }
0x3f: {  	_ =	shalt  }
0x40: {  	_ =	shalt  }
0x41: {  	_ =	shalt  }
0x42: {  	_ =	shalt  }
0x43: {  	_ =	shalt  }
0x44: {  	_ =	shalt  }
0x45: {  	_ =	shalt  }
0x46: {  	_ =	shalt  }
0x47: {  	_ =	shalt  }
0x48: {  	_ =	shalt  }
0x49: {  	_ =	shalt  }
0x4a: {  	_ =	shalt  }
0x4b: {  	_ =	shalt  }
0x4c: {  	_ =	shalt  }
0x4d: {  	_ =	shalt  }
0x4e: {  	_ =	shalt  }
0x4f: {  	_ =	shalt  }
0x50: {  	_ =	shalt  }
0x51: {  	_ =	shalt  }
0x52: {  	_ =	shalt  }
0x53: {  	_ =	shalt  }
0x54: {  	_ =	shalt  }
0x55: {  	_ =	shalt  }
0x56: {  	_ =	shalt  }
0x57: {  	_ =	shalt  }
0x58: {  	_ =	shalt  }
0x59: {  	_ =	shalt  }
0x5a: {  	_ =	shalt  }
0x5b: {  	_ =	shalt  }
0x5c: {  	_ =	shalt  }
0x5d: {  	_ =	shalt  }
0x5e: {  	_ =	shalt  }
0x5f: {  	_ =	shalt  }
0x60: {  	_ =	shalt  }
0x61: {  	_ =	shalt  }
0x62: {  	_ =	shalt  }
0x63: {  	_ =	shalt  }
0x64: {  	_ =	shalt  }
0x65: {  	_ =	shalt  }
0x66: {  	_ =	shalt  }
0x67: {  	_ =	shalt  }
0x68: {  	_ =	shalt  }
0x69: {  	_ =	shalt  }
0x6a: {  	_ =	shalt  }
0x6b: {  	_ =	shalt  }
0x6c: {  	_ =	shalt  }
0x6d: {  	_ =	shalt  }
0x6e: {  	_ =	shalt  }
0x6f: {  	_ =	shalt  }
0x70: {  	_ =	shalt  }
0x71: {  	_ =	shalt  }
0x72: {  	_ =	shalt  }
0x73: {  	_ =	shalt  }
0x74: {  	_ =	shalt  }
0x75: {  	_ =	shalt  }
0x76: {  	_ =	shalt  }
0x77: {  	_ =	shalt  }
0x78: {  	_ =	shalt  }
0x79: {  	_ =	shalt  }
0x7a: {  	_ =	shalt  }
0x7b: {  	_ =	shalt  }
0x7c: {  	_ =	shalt  }
0x7d: {  	_ =	shalt  }
0x7e: {  	_ =	shalt  }
0x7f: {  	_ =	shalt  }
0x80: {  	_ =	shalt  }
0x81: {  	_ =	shalt  }
0x82: {  	_ =	shalt  }
0x83: {  	_ =	shalt  }
0x84: {  	_ =	shalt  }
0x85: {  	_ =	shalt  }
0x86: {  	_ =	shalt  }
0x87: {  	_ =	shalt  }
.Lfunc_end0:
.L_simem_size_0:
called_computation_lowered:
.L_overlay_start_0:
0x88: {  	s2 =	sld [smem:$0x3FD9]  }
0x89: {  	s3 =	sld [smem:$0x3FFE];
	_ =	sdelay $0x1  }
0x8a: {  	s1 =	srdreg.scid  }
0x8b: {  	s0 =	sand.u32 $0x1, s1  }
0x8c: {  	s17 =	sshll.u32 s0, $0xA;
	s2 =	sadd.s32 s3, s2  }
0x8d: {  	s2 =	sadd.s32 s2, s17  }
0x8e: {  	[smem:$0x3FC6] =	sst s2  }
0x8f: {  	_ = 	snop  }
0x90: {  	s2 =	sld [smem:$0x3FD0];
	(tm) =	ssettm $0x1  }
0x91: {  	s18 =	sld [smem:$0x3FFB];
	_ =	sdelay $0x3  }
0x92: {  	_ =	strace s18  }
0x93: {  	s3 =	sld [smem:$0x3FFC];
	_ =	sdelay $0x3  }
0x94: {  	_ =	strace s3  }
0x95: {  	s3 =	sld [smem:$0x3FFD];
	_ =	sdelay $0x3  }
0x96: {  	_ =	strace s3  }
0x97: {  	_ =	strace $0x8FFFFFFF  }
0x98: {  	s19 =	sld [smem:$0x3FDB];
	_ =	sdelay $0x1  }
0x99: {  	s4 =	simm.s32 $_scs_section_size  }
0x9a: {  	s5 =	simm.s32 $_size__tile_overlayer_lowered;
	s6 =	simm.s32 $_tile_overlayer_lowered  }
0x9b: {  	s22 =	simm.s32 $0x1BFF;
	s21 =	sshll.u32 s6, $0x1;
	s3 =	sadd.s32 s4, s19  }
0x9c: {  	s7 =	simm.s32 $0x0;
	s20 =	sshll.u32 s5, $0x1;
	s5 =	sadd.s32 s21, s3  }
0x9d: {  	[timem:s7], [sflag:s22] =	dma.local [hbm:s5], s20  }
0x9e: {  	_ =	swait.ge [sflag:s22], s20  }
0x9f: {  	s4 =	ssub.s32 $0x0, s20;
	[sflag:s22] =	ssyncset.done $0x0  }
0xa0: {  	[sflag:s22] =	ssyncadd.s32 s4;
	_ =	sdelay $0x1  }
0xa1: {  	s23 =	simm.s32 $0x1B8B  }
0xa2: {  	_ =	swait.ge [sflag:s23], $0x1  }
0xa3: {  	[sflag:s23] =	ssyncset.done $0x0  }
0xa4: {  	s25 =	simm.s32 $0x1B8E;
	s24 =	sld [smem:$0x3FFE];
	[sflag:s23] =	ssyncadd.s32 $0xFFFFFFFF  }
0xa5: {  	s26 =	simm.s32 $execute0_lowered;
	[smem:$0x3FD2] =	sst s25  }
0xa6: {  	s5 =	sshll.u32 s26, $0x1;
	_ =	strace $0x80000046;
	[dreg:$0x1] =	wrdreg $0xFFFFFFFF  }
0xa7: {  	s28 =	simm.s32 $_size_execute0_lowered;
	s3 =	sadd.s32 s3, s5;
	[dreg:$0x0] =	wrdreg $0x0  }
0xa8: {  	s5 =	sshll.u32 s28, $0x1;
	[dreg:$0x2] =	wrdreg s3  }
0xa9: {  	[dreg:$0x3] =	wrdreg s5  }
0xaa: {  	[dreg:$0x4] =	wrdreg $0xC0  }
0xab: {  	_ =	task [dreg:s7], $0x5FFFF  }
0xac: {  	[dreg:$0x1] =	wrdreg $0xFFFFFFFF  }
0xad: {  	[dreg:$0x0] =	wrdreg $0x60  }
0xae: {  	[dreg:$0x2] =	wrdreg s24  }
0xaf: {  	[dreg:$0x3] =	wrdreg s2  }
0xb0: {  	[dreg:$0x4] =	wrdreg $0x9  }
0xb1: {  	_ =	task.clear_ibuf [dreg:s7], $0x5FFFF;
	_ =	strace $0x90000046  }
0xb2: {  	s29 =	simm.s32 $0x9;
	_ =	strace $0x80000048  }
0xb3: {  	_ =	swait.ge [sflag:s29], $0x1  }
0xb4: {  	[sflag:s29] =	ssyncadd.s32 $0xFFFFFFFF  }
0xb5: {  	_ =	strace $0x90000048  }
0xb6: {  	_ =	sfence  }
0xb7: {  	s30 =	sld [smem:$0x0];
	_ =	sdelay $0x2  }
0xb8: {  	s31 =	sshll.u32 s1, $0xD;
	s1 =	sshrl.u32 s1, $0x2  }
0xb9: {  	s3 =	sand.u32 $0x4000, s31;
	s1 =	sadd.s32 s1, s30  }
0xba: {  	s0 =	sor.u32 s3, s0;
	s1 =	sshll.u32 s1, $0x11  }
0xbb: {  	s0 =	sor.u32 s1, s0  }
0xbc: {  	s0 =	sadd.s32 $0x8F2B, s0  }
0xbd: {  	[sflag:s0] =	ssyncadd.remote.s32 $0x1  }
0xbe: {  	_ =	sfence.sel $0xFFFF  }
0xbf: {  	[dreg:$0x0] =	wrdreg $0xFFFFFFFF;
	(pc) =	sbr.abs _section_cstart, $3  }
0xc0: {  	[dreg:$0x1] =	wrdreg $0xFFFFFFFF  }
0xc1: {  	_ =	task.clear_ibuf [dreg:s7], $0x2FFFF;
	_ =	strace $0x9FFFFFFF  }
0xc2: {  	(tm) =	ssettm $0x7FFFFFFF  }
0xc3: {  	_ =	shalt  }
tec
execute0_lowered:
.L_overlay_start_1:
0x0: {  	(tag) =	ssettag $0x1  }
0x1: {  	s0 =	rddreg [dreg:$0x0]  }
0x2: {  	s1 =	srdreg.scid;
	s3 =	stileid.u32  }
0x3: {  	s2 =	rddreg [dreg:$0x1];
	s15 =	simm.s32 $0x80;
	s18 =	simm.s32 $0x6400  }
0x4: {  	s19 =	simm.s32 $0x7400;
	s20 =	simm.s32 $0x1;
	s21 =	simm.s32 $0x8400  }
0x5: {  	s22 =	simm.s32 $0x8800;
	s23 =	simm.s32 $0x8C00;
	s24 =	simm.s32 $0x9000  }
0x6: {  	s28 =	simm.s32 $0x9400;
	s29 =	simm.s32 $0x9800;
	s30 =	simm.s32 $0x9C00  }
0x7: {  	s31 =	simm.s32 $0xA000;
	s1 =	sand.u32 $0x1, s1;
	s4 =	sshll.u32 s3, $0x1  }
0x8: {  	s3 =	simm.s32 $0x0;
	s8 =	sadd.s32 $0x2000, s2;
	s9 =	sadd.s32 $0x3000, s2  }
0x9: {  	s10 =	sadd.s32 $0x4000, s2;
	s11 =	sadd.s32 $0x5000, s2;
	s12 =	sadd.s32 $0x6000, s2  }
0xa: {  	v0 =	vlaneseq.u32;
	s13 =	sadd.s32 $0x7000, s2;
	s5 =	sor.u32 s1, s4;
	[smem:$0x7FF] =	sst s3  }
0xb: {  	v1 =	vmul.u32 $0x20, v0;
	v3 =	vor.u32 $0x10, v0;
	v5 =	vor.u32 $0x20, v0;
	s1 =	ssub.s32 $0x2, s1;
	s4 =	sshll.u32 s5, $0x4;
	_ =	strace $0x80000047  }
.Ltmp0:
0xc: {  	v7 =	vor.u32 $0x30, v0;
	v9 =	vor.u32 $0x40, v0;
	v11 =	vor.u32 $0x50, v0;
	s7 =	sshrl.u32 s1, $0x1;
	s6 =	sadd.s32 s4, s0;
	(pc) =	sbr.rel .LBB2_1-.Ltmp0, $4  }
0xd: {  	v13 =	vor.u32 $0x60, v0;
	v15 =	vor.u32 $0x70, v0;
	v16 =	vadd.s32 $0x1, v0;
	s4 =	sadd.s32 $0xF42A00, s0;
	s25 =	ssub.s32 s1, s7;
	s7 =	sadd.s32 $0x1000, s2  }
0xe: {  	v17 =	vadd.s32 $0x2, v0;
	v18 =	vadd.s32 $0x3, v0;
	v2 =	vor.u32 $0x200, v1;
	s1 =	simm.s32 $0x3;
	s26 =	sadd.s32 $0x600, s6;
	s6 =	sshll.u32 s5, $0x7  }
0xf: {  	v4 =	vor.u32 $0x400, v1;
	v6 =	vor.u32 $0x600, v1;
	v8 =	vor.u32 $0x800, v1;
	s0 =	smax.u32 s25, $0x1;
	s25 =	simm.s32 $0x2;
	[dreg:$0x3] =	wrdreg s26  }
0x10: {  	v10 =	vor.u32 $0xA00, v1;
	v12 =	vor.u32 $0xC00, v1;
	v14 =	vor.u32 $0xE00, v1;
	[dreg:$0x4] =	wrdreg s0;
	s26 =	simm.s32 $0x4;
	s0 =	simm.s32 $0x0  }
.LBB2_12:
0x11: {  	_ =	swait.ge [sflag:s1], $0x400  }
0x12: {  	[sflag:s1] =	ssyncset.done $0x0  }
0x13: {  	[sflag:s1] =	ssyncadd.s32 $0xFFFFFC00  }
0x14: {  	_ =	swait.ge [sflag:s1], $0x400  }
0x15: {  	[sflag:s1] =	ssyncset.done $0x0  }
0x16: {  	[sflag:s1] =	ssyncadd.s32 $0xFFFFFC00  }
0x17: {  	_ =	swait.ge [sflag:s1], $0x400  }
0x18: {  	[sflag:s1] =	ssyncset.done $0x0  }
0x19: {  	[sflag:s1] =	ssyncadd.s32 $0xFFFFFC00  }
0x1a: {  	_ =	swait.ge [sflag:s1], $0x400  }
0x1b: {  	[sflag:s1] =	ssyncset.done $0x0  }
0x1c: {  	[sflag:s1] =	ssyncadd.s32 $0xFFFFFC00  }
0x1d: {  	_ =	swait.ge [sflag:s26], $0x400  }
0x1e: {  	[sflag:s26] =	ssyncset.done $0x0  }
0x1f: {  	[sflag:s26] =	ssyncadd.s32 $0xFFFFFC00  }
0x20: {  	_ =	swait.ge [sflag:s26], $0x400  }
0x21: {  	[sflag:s26] =	ssyncset.done $0x0  }
0x22: {  	[sflag:s26] =	ssyncadd.s32 $0xFFFFFC00  }
0x23: {  	_ =	swait.ge [sflag:s26], $0x400  }
0x24: {  	[sflag:s26] =	ssyncset.done $0x0  }
0x25: {  	[sflag:s26] =	ssyncadd.s32 $0xFFFFFC00  }
0x26: {  	_ =	swait.ge [sflag:s26], $0x400  }
0x27: {  	s0 =	sadd.s32 $0x1, s0;
	s5 =	rddreg [dreg:$0x4]  }
0x28: {  	p0 =	sne.s32 s0, s5  }
.Ltmp1:
0x29: {  	_ = 	snop;
	(pc) =	sbr.rel @!p0 .LBB2_13-.Ltmp1, $3  }
0x2a: {  	_ =	sdelay $0x1  }
0x2b: {  	[sflag:s26] =	ssyncset.done $0x0  }
0x2c: {  	[sflag:s26] =	ssyncadd.s32 $0xFFFFFC00  }
.LBB2_1:
0x2d: {  	s5 =	rddreg [dreg:$0x3];
	s14 =	simm.s32 $0x1000;
	s17 =	simm.s32 $0x5  }
0x2e: {  	[tilespmem:s3], [sflag:$0x5] =	stream.strided.gather [hbm4b:s5+s15], $0x6400, s14, s15, $0x38;
	[tilespmem:$0xA400] =	vst v63  }
0x2f: {  	_ =	swait.ge [sflag:s17], $0x6400  }
0x30: {  	[sflag:s17] =	ssyncset.done $0x0  }
0x31: {  	[sflag:s17] =	ssyncadd.s32 $0xFFFF9C00  }
0x32: {  	[tilespmem:s18], [sflag:$0x1] =	stream.indirect.gather [hbm4b:s4+s15], $0x20, s3, s15, $0xb8;
	[tilespmem:$0xA400] =	vst v63  }
0x33: {  	s16 =	simm.s32 $0x0  }
0x34: {  	[tilespmem:s19], [sflag:$0x2] =	stream.indirect.gather [hbm4b:s4+s15], $0x20, s15, s15, $0xb8;
	[tilespmem:$0xA400] =	vst v63  }
.LBB2_2:
0x35: {  	_ =	swait.ge [sflag:s20], $0x1000  }
0x36: {  	p0 =	seq.s32 s16, $0x0;
	[sflag:s20] =	ssyncset.done $0x0  }
0x37: {  	s14 =	simm.s32 @!p0 $0x3;
	[sflag:s20] =	ssyncadd.s32 $0xFFFFF000  }
0x38: {  	_ =	swait.ge @!p0 [sflag:s14], $0x400  }
0x39: {  	[sflag:s14] =	ssyncset.done @!p0 $0x0  }
0x3a: {  	[sflag:s14] =	ssyncadd.s32 @!p0 $0xFFFFFC00  }
0x3b: {  	_ =	swait.ge @!p0 [sflag:s14], $0x400  }
0x3c: {  	s5 =	simm.s32 $0x0;
	[sflag:s14] =	ssyncset.done @!p0 $0x0  }
0x3d: {  	v19 =	vadd.s32 s5, v0;
	[sflag:s14] =	ssyncadd.s32 @!p0 $0xFFFFFC00  }
0x3e: {  	v20 =	vand.u32 $0x1F, v19;
	_ =	swait.ge @!p0 [sflag:s14], $0x400  }
0x3f: {  	v21 =	vor.u32 v1, v20;
	[sflag:s14] =	ssyncset.done @!p0 $0x0  }
0x40: {  	[sflag:s14] =	ssyncadd.s32 @!p0 $0xFFFFFC00  }
0x41: {  	_ =	swait.ge @!p0 [sflag:s14], $0x400  }
0x42: {  	v19 =	vshll.u32 v19, $0x7;
	[sflag:s14] =	ssyncset.done @!p0 $0x0  }
0x43: {  	v19 =	vand.u32 $0xF80, v19;
	[sflag:s14] =	ssyncadd.s32 @!p0 $0xFFFFFC00  }
0x44: {  	v22 =	vor.u32 v0, v19;
	v21 =	vld.idx.msk [tilespmem:v21+s18+$0x0], $0xffff  }
0x45: {  	v23 =	vor.u32 v2, v20;
	_ =	sdelay $0x3  }
0x46: {  	[tilespmem:v22+s21+$0x0] =	vst.idx.msk $0xffff, v21  }
0x47: {  	v22 =	vor.u32 v3, v19;
	v21 =	vld.idx.msk [tilespmem:v23+s18+$0x0], $0xffff  }
0x48: {  	v23 =	vor.u32 v4, v20;
	_ =	sdelay $0x3  }
0x49: {  	[tilespmem:v22+s21+$0x0] =	vst.idx.msk $0xffff, v21  }
0x4a: {  	v22 =	vor.u32 v5, v19;
	v21 =	vld.idx.msk [tilespmem:v23+s18+$0x0], $0xffff  }
0x4b: {  	v23 =	vor.u32 v6, v20;
	_ =	sdelay $0x3  }
0x4c: {  	[tilespmem:v22+s21+$0x0] =	vst.idx.msk $0xffff, v21  }
0x4d: {  	v22 =	vor.u32 v7, v19;
	v21 =	vld.idx.msk [tilespmem:v23+s18+$0x0], $0xffff  }
0x4e: {  	v23 =	vor.u32 v8, v20;
	_ =	sdelay $0x3  }
0x4f: {  	[tilespmem:v22+s21+$0x0] =	vst.idx.msk $0xffff, v21  }
0x50: {  	v22 =	vor.u32 v9, v19;
	v21 =	vld.idx.msk [tilespmem:v23+s18+$0x0], $0xffff  }
0x51: {  	v23 =	vor.u32 v10, v20;
	_ =	sdelay $0x3  }
0x52: {  	[tilespmem:v22+s21+$0x0] =	vst.idx.msk $0xffff, v21  }
0x53: {  	v22 =	vor.u32 v11, v19;
	v21 =	vld.idx.msk [tilespmem:v23+s18+$0x0], $0xffff  }
0x54: {  	v23 =	vor.u32 v12, v20;
	_ =	sdelay $0x3  }
0x55: {  	[tilespmem:v22+s21+$0x0] =	vst.idx.msk $0xffff, v21  }
0x56: {  	v22 =	vor.u32 v13, v19;
	v21 =	vld.idx.msk [tilespmem:v23+s18+$0x0], $0xffff  }
0x57: {  	v20 =	vor.u32 v14, v20;
	_ =	sdelay $0x3  }
0x58: {  	[tilespmem:v22+s21+$0x0] =	vst.idx.msk $0xffff, v21;
	v21 =	vadd.s32 s5, v16  }
0x59: {  	v19 =	vor.u32 v15, v19;
	v20 =	vld.idx.msk [tilespmem:v20+s18+$0x0], $0xffff;
	v22 =	vand.u32 $0x1F, v21  }
0x5a: {  	v23 =	vor.u32 v1, v22;
	_ =	sdelay $0x2  }
0x5b: {  	v21 =	vshll.u32 v21, $0x7  }
0x5c: {  	[tilespmem:v19+s21+$0x0] =	vst.idx.msk $0xffff, v20;
	v19 =	vand.u32 $0xF80, v21  }
0x5d: {  	v20 =	vld.idx.msk [tilespmem:v23+s18+$0x0], $0xffff;
	v21 =	vor.u32 v0, v19  }
0x5e: {  	v23 =	vor.u32 v2, v22;
	_ =	sdelay $0x3  }
0x5f: {  	[tilespmem:v21+s21+$0x0] =	vst.idx.msk $0xffff, v20  }
0x60: {  	v21 =	vor.u32 v3, v19;
	v20 =	vld.idx.msk [tilespmem:v23+s18+$0x0], $0xffff  }
0x61: {  	v23 =	vor.u32 v4, v22;
	_ =	sdelay $0x3  }
0x62: {  	[tilespmem:v21+s21+$0x0] =	vst.idx.msk $0xffff, v20  }
0x63: {  	v21 =	vor.u32 v5, v19;
	v20 =	vld.idx.msk [tilespmem:v23+s18+$0x0], $0xffff  }
0x64: {  	v23 =	vor.u32 v6, v22;
	_ =	sdelay $0x3  }
0x65: {  	[tilespmem:v21+s21+$0x0] =	vst.idx.msk $0xffff, v20  }
0x66: {  	v21 =	vor.u32 v7, v19;
	v20 =	vld.idx.msk [tilespmem:v23+s18+$0x0], $0xffff  }
0x67: {  	v23 =	vor.u32 v8, v22;
	_ =	sdelay $0x3  }
0x68: {  	[tilespmem:v21+s21+$0x0] =	vst.idx.msk $0xffff, v20  }
0x69: {  	v21 =	vor.u32 v9, v19;
	v20 =	vld.idx.msk [tilespmem:v23+s18+$0x0], $0xffff  }
0x6a: {  	v23 =	vor.u32 v10, v22;
	_ =	sdelay $0x3  }
0x6b: {  	[tilespmem:v21+s21+$0x0] =	vst.idx.msk $0xffff, v20  }
0x6c: {  	v21 =	vor.u32 v11, v19;
	v20 =	vld.idx.msk [tilespmem:v23+s18+$0x0], $0xffff  }
0x6d: {  	v23 =	vor.u32 v12, v22;
	_ =	sdelay $0x3  }
0x6e: {  	[tilespmem:v21+s21+$0x0] =	vst.idx.msk $0xffff, v20  }
0x6f: {  	v21 =	vor.u32 v13, v19;
	v20 =	vld.idx.msk [tilespmem:v23+s18+$0x0], $0xffff  }
0x70: {  	v22 =	vor.u32 v14, v22;
	_ =	sdelay $0x3  }
0x71: {  	[tilespmem:v21+s21+$0x0] =	vst.idx.msk $0xffff, v20;
	v20 =	vadd.s32 s5, v17  }
0x72: {  	v19 =	vor.u32 v15, v19;
	v21 =	vld.idx.msk [tilespmem:v22+s18+$0x0], $0xffff;
	v22 =	vand.u32 $0x1F, v20  }
0x73: {  	v23 =	vor.u32 v1, v22;
	_ =	sdelay $0x2  }
0x74: {  	v20 =	vshll.u32 v20, $0x7  }
0x75: {  	[tilespmem:v19+s21+$0x0] =	vst.idx.msk $0xffff, v21;
	v19 =	vand.u32 $0xF80, v20  }
0x76: {  	v20 =	vld.idx.msk [tilespmem:v23+s18+$0x0], $0xffff;
	v21 =	vor.u32 v0, v19  }
0x77: {  	v23 =	vor.u32 v2, v22;
	_ =	sdelay $0x3  }
0x78: {  	[tilespmem:v21+s21+$0x0] =	vst.idx.msk $0xffff, v20  }
0x79: {  	v21 =	vor.u32 v3, v19;
	v20 =	vld.idx.msk [tilespmem:v23+s18+$0x0], $0xffff  }
0x7a: {  	v23 =	vor.u32 v4, v22;
	_ =	sdelay $0x3  }
0x7b: {  	[tilespmem:v21+s21+$0x0] =	vst.idx.msk $0xffff, v20  }
0x7c: {  	v21 =	vor.u32 v5, v19;
	v20 =	vld.idx.msk [tilespmem:v23+s18+$0x0], $0xffff  }
0x7d: {  	v23 =	vor.u32 v6, v22;
	_ =	sdelay $0x3  }
0x7e: {  	[tilespmem:v21+s21+$0x0] =	vst.idx.msk $0xffff, v20  }
0x7f: {  	v21 =	vor.u32 v7, v19;
	v20 =	vld.idx.msk [tilespmem:v23+s18+$0x0], $0xffff  }
0x80: {  	v23 =	vor.u32 v8, v22;
	_ =	sdelay $0x3  }
0x81: {  	[tilespmem:v21+s21+$0x0] =	vst.idx.msk $0xffff, v20  }
0x82: {  	v21 =	vor.u32 v9, v19;
	v20 =	vld.idx.msk [tilespmem:v23+s18+$0x0], $0xffff  }
0x83: {  	v23 =	vor.u32 v10, v22;
	_ =	sdelay $0x3  }
0x84: {  	[tilespmem:v21+s21+$0x0] =	vst.idx.msk $0xffff, v20  }
0x85: {  	v21 =	vor.u32 v11, v19;
	v20 =	vld.idx.msk [tilespmem:v23+s18+$0x0], $0xffff  }
0x86: {  	v23 =	vor.u32 v12, v22;
	_ =	sdelay $0x3  }
0x87: {  	[tilespmem:v21+s21+$0x0] =	vst.idx.msk $0xffff, v20  }
0x88: {  	v21 =	vor.u32 v13, v19;
	v20 =	vld.idx.msk [tilespmem:v23+s18+$0x0], $0xffff  }
0x89: {  	v22 =	vor.u32 v14, v22;
	_ =	sdelay $0x3  }
0x8a: {  	[tilespmem:v21+s21+$0x0] =	vst.idx.msk $0xffff, v20;
	v20 =	vadd.s32 s5, v18  }
0x8b: {  	v19 =	vor.u32 v15, v19;
	v21 =	vld.idx.msk [tilespmem:v22+s18+$0x0], $0xffff;
	v22 =	vand.u32 $0x1F, v20  }
0x8c: {  	v23 =	vor.u32 v1, v22;
	_ =	sdelay $0x2  }
0x8d: {  	v20 =	vshll.u32 v20, $0x7  }
0x8e: {  	[tilespmem:v19+s21+$0x0] =	vst.idx.msk $0xffff, v21;
	v19 =	vand.u32 $0xF80, v20  }
0x8f: {  	v20 =	vld.idx.msk [tilespmem:v23+s18+$0x0], $0xffff;
	v21 =	vor.u32 v0, v19  }
0x90: {  	v23 =	vor.u32 v2, v22;
	_ =	sdelay $0x3  }
0x91: {  	[tilespmem:v21+s21+$0x0] =	vst.idx.msk $0xffff, v20  }
0x92: {  	v21 =	vor.u32 v3, v19;
	v20 =	vld.idx.msk [tilespmem:v23+s18+$0x0], $0xffff  }
0x93: {  	v23 =	vor.u32 v4, v22;
	_ =	sdelay $0x3  }
0x94: {  	[tilespmem:v21+s21+$0x0] =	vst.idx.msk $0xffff, v20  }
0x95: {  	v21 =	vor.u32 v5, v19;
	v20 =	vld.idx.msk [tilespmem:v23+s18+$0x0], $0xffff  }
0x96: {  	v23 =	vor.u32 v6, v22;
	_ =	sdelay $0x3  }
0x97: {  	[tilespmem:v21+s21+$0x0] =	vst.idx.msk $0xffff, v20  }
0x98: {  	v21 =	vor.u32 v7, v19;
	v20 =	vld.idx.msk [tilespmem:v23+s18+$0x0], $0xffff  }
0x99: {  	v23 =	vor.u32 v8, v22;
	_ =	sdelay $0x3  }
0x9a: {  	[tilespmem:v21+s21+$0x0] =	vst.idx.msk $0xffff, v20  }
0x9b: {  	v21 =	vor.u32 v9, v19;
	v20 =	vld.idx.msk [tilespmem:v23+s18+$0x0], $0xffff  }
0x9c: {  	v23 =	vor.u32 v10, v22;
	_ =	sdelay $0x3  }
0x9d: {  	[tilespmem:v21+s21+$0x0] =	vst.idx.msk $0xffff, v20  }
0x9e: {  	v21 =	vor.u32 v11, v19;
	v20 =	vld.idx.msk [tilespmem:v23+s18+$0x0], $0xffff  }
0x9f: {  	v23 =	vor.u32 v12, v22;
	_ =	sdelay $0x3  }
0xa0: {  	[tilespmem:v21+s21+$0x0] =	vst.idx.msk $0xffff, v20  }
0xa1: {  	v21 =	vor.u32 v13, v19;
	v20 =	vld.idx.msk [tilespmem:v23+s18+$0x0], $0xffff  }
0xa2: {  	v22 =	vor.u32 v14, v22;
	_ =	sdelay $0x3  }
0xa3: {  	s5 =	simm.s32 $0x4;
	[tilespmem:v21+s21+$0x0] =	vst.idx.msk $0xffff, v20  }
0xa4: {  	s14 =	simm.s32 $0x8;
	v20 =	vadd.s32 s5, v0;
	v21 =	vld.idx.msk [tilespmem:v22+s18+$0x0], $0xffff  }
.LBB2_3:
0xa5: {  	p1 =	sne.s32 s14, $0x1C;
	v22 =	vand.u32 $0x1F, v20;
	v19 =	vor.u32 v15, v19  }
0xa6: {  	v23 =	vor.u32 v1, v22;
	_ =	sdelay $0x3  }
0xa7: {  	v20 =	vshll.u32 v20, $0x7;
	[tilespmem:v19+s21+$0x0] =	vst.idx.msk $0xffff, v21  }
0xa8: {  	v20 =	vand.u32 $0xF80, v20;
	v19 =	vld.idx.msk [tilespmem:v23+s18+$0x0], $0xffff  }
0xa9: {  	v21 =	vor.u32 v0, v20  }
0xaa: {  	v23 =	vor.u32 v2, v22;
	_ =	sdelay $0x3  }
0xab: {  	[tilespmem:v21+s21+$0x0] =	vst.idx.msk $0xffff, v19  }
0xac: {  	v19 =	vld.idx.msk [tilespmem:v23+s18+$0x0], $0xffff  }
0xad: {  	v21 =	vor.u32 v3, v20  }
0xae: {  	v23 =	vor.u32 v4, v22;
	_ =	sdelay $0x3  }
0xaf: {  	[tilespmem:v21+s21+$0x0] =	vst.idx.msk $0xffff, v19  }
0xb0: {  	v19 =	vld.idx.msk [tilespmem:v23+s18+$0x0], $0xffff  }
0xb1: {  	v21 =	vor.u32 v5, v20  }
0xb2: {  	v23 =	vor.u32 v6, v22;
	_ =	sdelay $0x3  }
0xb3: {  	[tilespmem:v21+s21+$0x0] =	vst.idx.msk $0xffff, v19  }
0xb4: {  	v19 =	vld.idx.msk [tilespmem:v23+s18+$0x0], $0xffff  }
0xb5: {  	v21 =	vor.u32 v7, v20  }
0xb6: {  	v23 =	vor.u32 v8, v22;
	_ =	sdelay $0x3  }
0xb7: {  	[tilespmem:v21+s21+$0x0] =	vst.idx.msk $0xffff, v19  }
0xb8: {  	v19 =	vld.idx.msk [tilespmem:v23+s18+$0x0], $0xffff  }
0xb9: {  	v21 =	vor.u32 v9, v20  }
0xba: {  	v23 =	vor.u32 v10, v22;
	_ =	sdelay $0x3  }
0xbb: {  	[tilespmem:v21+s21+$0x0] =	vst.idx.msk $0xffff, v19  }
0xbc: {  	v19 =	vld.idx.msk [tilespmem:v23+s18+$0x0], $0xffff  }
0xbd: {  	v21 =	vor.u32 v11, v20  }
0xbe: {  	v23 =	vor.u32 v12, v22;
	_ =	sdelay $0x3  }
0xbf: {  	[tilespmem:v21+s21+$0x0] =	vst.idx.msk $0xffff, v19  }
0xc0: {  	v19 =	vld.idx.msk [tilespmem:v23+s18+$0x0], $0xffff  }
0xc1: {  	v21 =	vor.u32 v13, v20  }
0xc2: {  	v22 =	vor.u32 v14, v22;
	_ =	sdelay $0x3  }
0xc3: {  	[tilespmem:v21+s21+$0x0] =	vst.idx.msk $0xffff, v19  }
0xc4: {  	v21 =	vadd.s32 s5, v16;
	v19 =	vld.idx.msk [tilespmem:v22+s18+$0x0], $0xffff  }
0xc5: {  	v20 =	vor.u32 v15, v20;
	v22 =	vand.u32 $0x1F, v21  }
0xc6: {  	v23 =	vor.u32 v1, v22;
	_ =	sdelay $0x3  }
0xc7: {  	[tilespmem:v20+s21+$0x0] =	vst.idx.msk $0xffff, v19;
	v19 =	vshll.u32 v21, $0x7  }
0xc8: {  	v20 =	vld.idx.msk [tilespmem:v23+s18+$0x0], $0xffff;
	v19 =	vand.u32 $0xF80, v19  }
0xc9: {  	v21 =	vor.u32 v0, v19  }
0xca: {  	v23 =	vor.u32 v2, v22;
	_ =	sdelay $0x3  }
0xcb: {  	[tilespmem:v21+s21+$0x0] =	vst.idx.msk $0xffff, v20  }
0xcc: {  	v20 =	vld.idx.msk [tilespmem:v23+s18+$0x0], $0xffff  }
0xcd: {  	v21 =	vor.u32 v3, v19  }
0xce: {  	v23 =	vor.u32 v4, v22;
	_ =	sdelay $0x3  }
0xcf: {  	[tilespmem:v21+s21+$0x0] =	vst.idx.msk $0xffff, v20  }
0xd0: {  	v20 =	vld.idx.msk [tilespmem:v23+s18+$0x0], $0xffff  }
0xd1: {  	v21 =	vor.u32 v5, v19  }
0xd2: {  	v23 =	vor.u32 v6, v22;
	_ =	sdelay $0x3  }
0xd3: {  	[tilespmem:v21+s21+$0x0] =	vst.idx.msk $0xffff, v20  }
0xd4: {  	v20 =	vld.idx.msk [tilespmem:v23+s18+$0x0], $0xffff  }
0xd5: {  	v21 =	vor.u32 v7, v19  }
0xd6: {  	v23 =	vor.u32 v8, v22;
	_ =	sdelay $0x3  }
0xd7: {  	[tilespmem:v21+s21+$0x0] =	vst.idx.msk $0xffff, v20  }
0xd8: {  	v20 =	vld.idx.msk [tilespmem:v23+s18+$0x0], $0xffff  }
0xd9: {  	v21 =	vor.u32 v9, v19  }
0xda: {  	v23 =	vor.u32 v10, v22;
	_ =	sdelay $0x3  }
0xdb: {  	[tilespmem:v21+s21+$0x0] =	vst.idx.msk $0xffff, v20  }
0xdc: {  	v20 =	vld.idx.msk [tilespmem:v23+s18+$0x0], $0xffff  }
0xdd: {  	v21 =	vor.u32 v11, v19  }
0xde: {  	v23 =	vor.u32 v12, v22;
	_ =	sdelay $0x3  }
0xdf: {  	[tilespmem:v21+s21+$0x0] =	vst.idx.msk $0xffff, v20  }
0xe0: {  	v20 =	vld.idx.msk [tilespmem:v23+s18+$0x0], $0xffff  }
0xe1: {  	v21 =	vor.u32 v13, v19  }
0xe2: {  	v22 =	vor.u32 v14, v22;
	_ =	sdelay $0x3  }
0xe3: {  	[tilespmem:v21+s21+$0x0] =	vst.idx.msk $0xffff, v20  }
0xe4: {  	v21 =	vadd.s32 s5, v17;
	v20 =	vld.idx.msk [tilespmem:v22+s18+$0x0], $0xffff  }
0xe5: {  	v19 =	vor.u32 v15, v19;
	v22 =	vand.u32 $0x1F, v21  }
0xe6: {  	v23 =	vor.u32 v1, v22;
	_ =	sdelay $0x3  }
0xe7: {  	[tilespmem:v19+s21+$0x0] =	vst.idx.msk $0xffff, v20;
	v19 =	vshll.u32 v21, $0x7  }
0xe8: {  	v20 =	vld.idx.msk [tilespmem:v23+s18+$0x0], $0xffff;
	v19 =	vand.u32 $0xF80, v19  }
0xe9: {  	v21 =	vor.u32 v0, v19  }
0xea: {  	v23 =	vor.u32 v2, v22;
	_ =	sdelay $0x3  }
0xeb: {  	[tilespmem:v21+s21+$0x0] =	vst.idx.msk $0xffff, v20  }
0xec: {  	v20 =	vld.idx.msk [tilespmem:v23+s18+$0x0], $0xffff  }
0xed: {  	v21 =	vor.u32 v3, v19  }
0xee: {  	v23 =	vor.u32 v4, v22;
	_ =	sdelay $0x3  }
0xef: {  	[tilespmem:v21+s21+$0x0] =	vst.idx.msk $0xffff, v20  }
0xf0: {  	v20 =	vld.idx.msk [tilespmem:v23+s18+$0x0], $0xffff  }
0xf1: {  	v21 =	vor.u32 v5, v19  }
0xf2: {  	v23 =	vor.u32 v6, v22;
	_ =	sdelay $0x3  }
0xf3: {  	[tilespmem:v21+s21+$0x0] =	vst.idx.msk $0xffff, v20  }
0xf4: {  	v20 =	vld.idx.msk [tilespmem:v23+s18+$0x0], $0xffff  }
0xf5: {  	v21 =	vor.u32 v7, v19  }
0xf6: {  	v23 =	vor.u32 v8, v22;
	_ =	sdelay $0x3  }
0xf7: {  	[tilespmem:v21+s21+$0x0] =	vst.idx.msk $0xffff, v20  }
0xf8: {  	v20 =	vld.idx.msk [tilespmem:v23+s18+$0x0], $0xffff  }
0xf9: {  	v21 =	vor.u32 v9, v19  }
0xfa: {  	v23 =	vor.u32 v10, v22;
	_ =	sdelay $0x3  }
0xfb: {  	[tilespmem:v21+s21+$0x0] =	vst.idx.msk $0xffff, v20  }
0xfc: {  	v20 =	vld.idx.msk [tilespmem:v23+s18+$0x0], $0xffff  }
0xfd: {  	v21 =	vor.u32 v11, v19  }
0xfe: {  	v23 =	vor.u32 v12, v22;
	_ =	sdelay $0x3  }
0xff: {  	[tilespmem:v21+s21+$0x0] =	vst.idx.msk $0xffff, v20  }
0x100: {  	v20 =	vld.idx.msk [tilespmem:v23+s18+$0x0], $0xffff  }
0x101: {  	v21 =	vor.u32 v13, v19  }
0x102: {  	v22 =	vor.u32 v14, v22;
	_ =	sdelay $0x3  }
0x103: {  	[tilespmem:v21+s21+$0x0] =	vst.idx.msk $0xffff, v20  }
0x104: {  	v21 =	vadd.s32 s5, v18;
	s5 =	smov.u32 s14;
	v20 =	vld.idx.msk [tilespmem:v22+s18+$0x0], $0xffff  }
0x105: {  	v19 =	vor.u32 v15, v19;
	v22 =	vand.u32 $0x1F, v21  }
0x106: {  	v23 =	vor.u32 v1, v22;
	_ =	sdelay $0x3  }
0x107: {  	[tilespmem:v19+s21+$0x0] =	vst.idx.msk $0xffff, v20;
	v19 =	vshll.u32 v21, $0x7  }
0x108: {  	v20 =	vld.idx.msk [tilespmem:v23+s18+$0x0], $0xffff;
	v19 =	vand.u32 $0xF80, v19  }
0x109: {  	v21 =	vor.u32 v0, v19  }
0x10a: {  	v23 =	vor.u32 v2, v22;
	_ =	sdelay $0x3  }
0x10b: {  	[tilespmem:v21+s21+$0x0] =	vst.idx.msk $0xffff, v20  }
0x10c: {  	v20 =	vld.idx.msk [tilespmem:v23+s18+$0x0], $0xffff  }
0x10d: {  	v21 =	vor.u32 v3, v19  }
0x10e: {  	v23 =	vor.u32 v4, v22;
	_ =	sdelay $0x3  }
0x10f: {  	[tilespmem:v21+s21+$0x0] =	vst.idx.msk $0xffff, v20  }
0x110: {  	v20 =	vld.idx.msk [tilespmem:v23+s18+$0x0], $0xffff  }
0x111: {  	v21 =	vor.u32 v5, v19  }
0x112: {  	v23 =	vor.u32 v6, v22;
	_ =	sdelay $0x3  }
0x113: {  	[tilespmem:v21+s21+$0x0] =	vst.idx.msk $0xffff, v20  }
0x114: {  	v20 =	vld.idx.msk [tilespmem:v23+s18+$0x0], $0xffff  }
0x115: {  	v21 =	vor.u32 v7, v19  }
0x116: {  	v23 =	vor.u32 v8, v22;
	_ =	sdelay $0x3  }
0x117: {  	[tilespmem:v21+s21+$0x0] =	vst.idx.msk $0xffff, v20  }
0x118: {  	v20 =	vld.idx.msk [tilespmem:v23+s18+$0x0], $0xffff  }
0x119: {  	v21 =	vor.u32 v9, v19  }
0x11a: {  	v23 =	vor.u32 v10, v22;
	_ =	sdelay $0x3  }
0x11b: {  	[tilespmem:v21+s21+$0x0] =	vst.idx.msk $0xffff, v20  }
0x11c: {  	v20 =	vld.idx.msk [tilespmem:v23+s18+$0x0], $0xffff  }
0x11d: {  	v21 =	vor.u32 v11, v19  }
0x11e: {  	v23 =	vor.u32 v12, v22;
	_ =	sdelay $0x3  }
0x11f: {  	[tilespmem:v21+s21+$0x0] =	vst.idx.msk $0xffff, v20  }
0x120: {  	v20 =	vld.idx.msk [tilespmem:v23+s18+$0x0], $0xffff  }
0x121: {  	v21 =	vor.u32 v13, v19  }
0x122: {  	v22 =	vor.u32 v14, v22  }
.Ltmp2:
0x123: {  	(pc) =	sbr.rel @p1 .LBB2_3-.Ltmp2, $3  }
0x124: {  	_ =	sdelay $0x1  }
0x125: {  	[tilespmem:v21+s21+$0x0] =	vst.idx.msk $0xffff, v20  }
0x126: {  	s14 =	sadd.s32 $0x4, s14;
	v20 =	vadd.s32 s5, v0;
	v21 =	vld.idx.msk [tilespmem:v22+s18+$0x0], $0xffff  }
0x127: {  	v22 =	vand.u32 $0x1F, v20;
	v19 =	vor.u32 v15, v19  }
0x128: {  	v23 =	vor.u32 v1, v22;
	_ =	sdelay $0x2  }
0x129: {  	v20 =	vshll.u32 v20, $0x7  }
0x12a: {  	[tilespmem:v19+s21+$0x0] =	vst.idx.msk $0xffff, v21;
	v19 =	vand.u32 $0xF80, v20  }
0x12b: {  	v20 =	vld.idx.msk [tilespmem:v23+s18+$0x0], $0xffff;
	v46 =	vor.u32 v0, v19  }
0x12c: {  	v47 =	vor.u32 v2, v22;
	_ =	sdelay $0x3  }
0x12d: {  	[tilespmem:v46+s21+$0x0] =	vst.idx.msk $0xffff, v20  }
0x12e: {  	v48 =	vor.u32 v3, v19;
	v20 =	vld.idx.msk [tilespmem:v47+s18+$0x0], $0xffff  }
0x12f: {  	v49 =	vor.u32 v4, v22;
	_ =	sdelay $0x3  }
0x130: {  	[tilespmem:v48+s21+$0x0] =	vst.idx.msk $0xffff, v20  }
0x131: {  	v50 =	vor.u32 v5, v19;
	v20 =	vld.idx.msk [tilespmem:v49+s18+$0x0], $0xffff  }
0x132: {  	v51 =	vor.u32 v6, v22;
	_ =	sdelay $0x3  }
0x133: {  	[tilespmem:v50+s21+$0x0] =	vst.idx.msk $0xffff, v20  }
0x134: {  	v52 =	vor.u32 v7, v19;
	v20 =	vld.idx.msk [tilespmem:v51+s18+$0x0], $0xffff  }
0x135: {  	v53 =	vor.u32 v8, v22;
	_ =	sdelay $0x3  }
0x136: {  	[tilespmem:v52+s21+$0x0] =	vst.idx.msk $0xffff, v20  }
0x137: {  	v54 =	vor.u32 v9, v19;
	v20 =	vld.idx.msk [tilespmem:v53+s18+$0x0], $0xffff  }
0x138: {  	v55 =	vor.u32 v10, v22;
	_ =	sdelay $0x3  }
0x139: {  	[tilespmem:v54+s21+$0x0] =	vst.idx.msk $0xffff, v20  }
0x13a: {  	v56 =	vor.u32 v11, v19;
	v20 =	vld.idx.msk [tilespmem:v55+s18+$0x0], $0xffff  }
0x13b: {  	v57 =	vor.u32 v12, v22;
	_ =	sdelay $0x3  }
0x13c: {  	[tilespmem:v56+s21+$0x0] =	vst.idx.msk $0xffff, v20  }
0x13d: {  	v58 =	vor.u32 v13, v19;
	v20 =	vld.idx.msk [tilespmem:v57+s18+$0x0], $0xffff  }
0x13e: {  	v22 =	vor.u32 v14, v22;
	_ =	sdelay $0x3  }
0x13f: {  	[tilespmem:v58+s21+$0x0] =	vst.idx.msk $0xffff, v20;
	v20 =	vadd.s32 s5, v16  }
0x140: {  	v19 =	vor.u32 v15, v19;
	v21 =	vld.idx.msk [tilespmem:v22+s18+$0x0], $0xffff;
	v59 =	vand.u32 $0x1F, v20  }
0x141: {  	v60 =	vor.u32 v1, v59;
	_ =	sdelay $0x2  }
0x142: {  	v20 =	vshll.u32 v20, $0x7  }
0x143: {  	[tilespmem:v19+s21+$0x0] =	vst.idx.msk $0xffff, v21;
	v19 =	vand.u32 $0xF80, v20  }
0x144: {  	v20 =	vld.idx.msk [tilespmem:v60+s18+$0x0], $0xffff;
	v61 =	vor.u32 v0, v19  }
0x145: {  	v62 =	vor.u32 v2, v59;
	_ =	sdelay $0x3  }
0x146: {  	[tilespmem:v61+s21+$0x0] =	vst.idx.msk $0xffff, v20  }
0x147: {  	v63 =	vor.u32 v3, v19;
	v20 =	vld.idx.msk [tilespmem:v62+s18+$0x0], $0xffff  }
0x148: {  	v24 =	vor.u32 v4, v59;
	_ =	sdelay $0x3  }
0x149: {  	[tilespmem:v63+s21+$0x0] =	vst.idx.msk $0xffff, v20  }
0x14a: {  	v25 =	vor.u32 v5, v19;
	v20 =	vld.idx.msk [tilespmem:v24+s18+$0x0], $0xffff  }
0x14b: {  	v26 =	vor.u32 v6, v59;
	_ =	sdelay $0x3  }
0x14c: {  	[tilespmem:v25+s21+$0x0] =	vst.idx.msk $0xffff, v20  }
0x14d: {  	v27 =	vor.u32 v7, v19;
	v20 =	vld.idx.msk [tilespmem:v26+s18+$0x0], $0xffff  }
0x14e: {  	v28 =	vor.u32 v8, v59;
	_ =	sdelay $0x3  }
0x14f: {  	[tilespmem:v27+s21+$0x0] =	vst.idx.msk $0xffff, v20  }
0x150: {  	v29 =	vor.u32 v9, v19;
	v20 =	vld.idx.msk [tilespmem:v28+s18+$0x0], $0xffff  }
0x151: {  	v30 =	vor.u32 v10, v59;
	_ =	sdelay $0x3  }
0x152: {  	[tilespmem:v29+s21+$0x0] =	vst.idx.msk $0xffff, v20  }
0x153: {  	v31 =	vor.u32 v11, v19;
	v20 =	vld.idx.msk [tilespmem:v30+s18+$0x0], $0xffff  }
0x154: {  	v32 =	vor.u32 v12, v59;
	_ =	sdelay $0x3  }
0x155: {  	[tilespmem:v31+s21+$0x0] =	vst.idx.msk $0xffff, v20  }
0x156: {  	v33 =	vor.u32 v13, v19;
	v20 =	vld.idx.msk [tilespmem:v32+s18+$0x0], $0xffff  }
0x157: {  	v22 =	vor.u32 v14, v59;
	_ =	sdelay $0x3  }
0x158: {  	[tilespmem:v33+s21+$0x0] =	vst.idx.msk $0xffff, v20;
	v20 =	vadd.s32 s5, v17  }
0x159: {  	v19 =	vor.u32 v15, v19;
	v21 =	vld.idx.msk [tilespmem:v22+s18+$0x0], $0xffff;
	v34 =	vand.u32 $0x1F, v20  }
0x15a: {  	v35 =	vor.u32 v1, v34;
	_ =	sdelay $0x2  }
0x15b: {  	v20 =	vshll.u32 v20, $0x7  }
0x15c: {  	[tilespmem:v19+s21+$0x0] =	vst.idx.msk $0xffff, v21;
	v19 =	vand.u32 $0xF80, v20  }
0x15d: {  	v20 =	vld.idx.msk [tilespmem:v35+s18+$0x0], $0xffff;
	v36 =	vor.u32 v0, v19  }
0x15e: {  	v37 =	vor.u32 v2, v34;
	_ =	sdelay $0x3  }
0x15f: {  	[tilespmem:v36+s21+$0x0] =	vst.idx.msk $0xffff, v20  }
0x160: {  	v38 =	vor.u32 v3, v19;
	v20 =	vld.idx.msk [tilespmem:v37+s18+$0x0], $0xffff  }
0x161: {  	v39 =	vor.u32 v4, v34;
	_ =	sdelay $0x3  }
0x162: {  	[tilespmem:v38+s21+$0x0] =	vst.idx.msk $0xffff, v20  }
0x163: {  	v40 =	vor.u32 v5, v19;
	v20 =	vld.idx.msk [tilespmem:v39+s18+$0x0], $0xffff  }
0x164: {  	v41 =	vor.u32 v6, v34;
	_ =	sdelay $0x3  }
0x165: {  	[tilespmem:v40+s21+$0x0] =	vst.idx.msk $0xffff, v20  }
0x166: {  	v42 =	vor.u32 v7, v19;
	v20 =	vld.idx.msk [tilespmem:v41+s18+$0x0], $0xffff  }
0x167: {  	v43 =	vor.u32 v8, v34;
	_ =	sdelay $0x3  }
0x168: {  	[tilespmem:v42+s21+$0x0] =	vst.idx.msk $0xffff, v20  }
0x169: {  	v44 =	vor.u32 v9, v19;
	v20 =	vld.idx.msk [tilespmem:v43+s18+$0x0], $0xffff  }
0x16a: {  	v45 =	vor.u32 v10, v34;
	_ =	sdelay $0x3  }
0x16b: {  	[tilespmem:v44+s21+$0x0] =	vst.idx.msk $0xffff, v20  }
0x16c: {  	v46 =	vor.u32 v11, v19;
	v20 =	vld.idx.msk [tilespmem:v45+s18+$0x0], $0xffff  }
0x16d: {  	v47 =	vor.u32 v12, v34;
	_ =	sdelay $0x3  }
0x16e: {  	[tilespmem:v46+s21+$0x0] =	vst.idx.msk $0xffff, v20  }
0x16f: {  	v48 =	vor.u32 v13, v19;
	v20 =	vld.idx.msk [tilespmem:v47+s18+$0x0], $0xffff  }
0x170: {  	v22 =	vor.u32 v14, v34;
	_ =	sdelay $0x3  }
0x171: {  	[tilespmem:v48+s21+$0x0] =	vst.idx.msk $0xffff, v20;
	v20 =	vadd.s32 s5, v18  }
0x172: {  	v19 =	vor.u32 v15, v19;
	v21 =	vld.idx.msk [tilespmem:v22+s18+$0x0], $0xffff;
	v49 =	vand.u32 $0x1F, v20  }
0x173: {  	v50 =	vor.u32 v1, v49;
	_ =	sdelay $0x2  }
0x174: {  	v20 =	vshll.u32 v20, $0x7  }
0x175: {  	[tilespmem:v19+s21+$0x0] =	vst.idx.msk $0xffff, v21;
	v19 =	vand.u32 $0xF80, v20  }
0x176: {  	v20 =	vld.idx.msk [tilespmem:v50+s18+$0x0], $0xffff;
	v51 =	vor.u32 v0, v19  }
0x177: {  	v52 =	vor.u32 v2, v49;
	_ =	sdelay $0x3  }
0x178: {  	[tilespmem:v51+s21+$0x0] =	vst.idx.msk $0xffff, v20  }
0x179: {  	v53 =	vor.u32 v3, v19;
	v20 =	vld.idx.msk [tilespmem:v52+s18+$0x0], $0xffff  }
0x17a: {  	v54 =	vor.u32 v4, v49;
	_ =	sdelay $0x3  }
0x17b: {  	[tilespmem:v53+s21+$0x0] =	vst.idx.msk $0xffff, v20  }
0x17c: {  	v55 =	vor.u32 v5, v19;
	v20 =	vld.idx.msk [tilespmem:v54+s18+$0x0], $0xffff  }
0x17d: {  	v56 =	vor.u32 v6, v49;
	_ =	sdelay $0x3  }
0x17e: {  	[tilespmem:v55+s21+$0x0] =	vst.idx.msk $0xffff, v20  }
0x17f: {  	v57 =	vor.u32 v7, v19;
	v20 =	vld.idx.msk [tilespmem:v56+s18+$0x0], $0xffff  }
0x180: {  	v58 =	vor.u32 v8, v49;
	_ =	sdelay $0x3  }
0x181: {  	[tilespmem:v57+s21+$0x0] =	vst.idx.msk $0xffff, v20  }
0x182: {  	v59 =	vor.u32 v9, v19;
	v20 =	vld.idx.msk [tilespmem:v58+s18+$0x0], $0xffff  }
0x183: {  	v60 =	vor.u32 v10, v49;
	_ =	sdelay $0x3  }
0x184: {  	[tilespmem:v59+s21+$0x0] =	vst.idx.msk $0xffff, v20  }
0x185: {  	v61 =	vor.u32 v11, v19;
	v20 =	vld.idx.msk [tilespmem:v60+s18+$0x0], $0xffff  }
0x186: {  	v62 =	vor.u32 v12, v49;
	_ =	sdelay $0x3  }
0x187: {  	[tilespmem:v61+s21+$0x0] =	vst.idx.msk $0xffff, v20  }
0x188: {  	v63 =	vor.u32 v13, v19;
	v20 =	vld.idx.msk [tilespmem:v62+s18+$0x0], $0xffff  }
0x189: {  	v22 =	vor.u32 v14, v49;
	_ =	sdelay $0x3  }
0x18a: {  	[tilespmem:v63+s21+$0x0] =	vst.idx.msk $0xffff, v20  }
0x18b: {  	v19 =	vor.u32 v15, v19;
	v20 =	vld.idx.msk [tilespmem:v22+s18+$0x0], $0xffff;
	_ =	sdelay $0x2  }
0x18c: {  	s14 =	sshll.u32 s16, $0xF  }
0x18d: {  	s5 =	sor.u32 s6, s14  }
0x18e: {  	s14 =	sadd.s32 s2, s5;
	[tilespmem:v19+s21+$0x0] =	vst.idx.msk $0xffff, v20  }
0x18f: {  	[hbm4b:s14+s3] =	stream.linear.scatter [tilespmem:s21], [sflag:$0x3], $0x400, $0x38;
	[tilespmem:$0xA400] =	vst v63  }
0x190: {  	p1 =	sne.s32 s16, $0x63;
	s17 =	sadd.s32 s5, s7  }
0x191: {  	[hbm4b:s17+s3] =	stream.linear.scatter [tilespmem:s22], [sflag:$0x3], $0x400, $0x38;
	[tilespmem:$0xA400] =	vst v63  }
.Ltmp3:
0x192: {  	_ = 	snop;
	(pc) =	sbr.rel @p1 .LBB2_6-.Ltmp3, $4  }
0x193: {  	s17 =	sadd.s32 s5, s8  }
0x194: {  	[hbm4b:s17+s3] =	stream.linear.scatter [tilespmem:s23], [sflag:$0x3], $0x400, $0x38;
	[tilespmem:$0xA400] =	vst v63  }
0x195: {  	s17 =	sadd.s32 s5, s9  }
0x196: {  	[hbm4b:s17+s3] =	stream.linear.scatter [tilespmem:s24], [sflag:$0x3], $0x400, $0x38;
	[tilespmem:$0xA400] =	vst v63  }
.Ltmp4:
0x197: {  	(pc) =	sbr.rel .LBB2_7-.Ltmp4, $4  }
0x198: {  	_ = 	snop  }
0x199: {  	_ =	swait.ge [sflag:s25], $0x1000  }
0x19a: {  	[sflag:s25] =	ssyncset.done $0x0  }
0x19b: {  	[sflag:s25] =	ssyncadd.s32 $0xFFFFF000  }
.LBB2_6:
0x19c: {  	s14 =	sshll.u32 s16, $0x8  }
0x19d: {  	s14 =	sand.u32 $0x3FFFFF00, s14  }
.Ltmp5:
0x19e: {  	s14 =	sadd.s32 $0x100, s14;
	(pc) =	sbr.rel @p0 .LBB2_8-.Ltmp5, $4  }
0x19f: {  	[tilespmem:s18], [sflag:$0x1] =	stream.indirect.gather [hbm4b:s4+s15], $0x20, s14, s15, $0xb8;
	[tilespmem:$0xA400] =	vst v63  }
0x1a0: {  	_ =	swait.ge [sflag:s25], $0x1000  }
0x1a1: {  	[sflag:s25] =	ssyncset.done $0x0  }
0x1a2: {  	[sflag:s25] =	ssyncadd.s32 $0xFFFFF000  }
.LBB2_7:
0x1a3: {  	_ =	swait.ge [sflag:s26], $0x400  }
0x1a4: {  	[sflag:s26] =	ssyncset.done $0x0  }
0x1a5: {  	[sflag:s26] =	ssyncadd.s32 $0xFFFFFC00  }
0x1a6: {  	_ =	swait.ge [sflag:s26], $0x400  }
0x1a7: {  	[sflag:s26] =	ssyncset.done $0x0  }
0x1a8: {  	[sflag:s26] =	ssyncadd.s32 $0xFFFFFC00  }
0x1a9: {  	_ =	swait.ge [sflag:s26], $0x400  }
0x1aa: {  	[sflag:s26] =	ssyncset.done $0x0  }
0x1ab: {  	[sflag:s26] =	ssyncadd.s32 $0xFFFFFC00  }
0x1ac: {  	_ =	swait.ge [sflag:s26], $0x400  }
0x1ad: {  	[sflag:s26] =	ssyncset.done $0x0  }
0x1ae: {  	[sflag:s26] =	ssyncadd.s32 $0xFFFFFC00  }
.LBB2_8:
0x1af: {  	s14 =	simm.s32 $0x0  }
0x1b0: {  	v19 =	vadd.s32 s14, v0  }
0x1b1: {  	v20 =	vand.u32 $0x1F, v19  }
0x1b2: {  	v21 =	vor.u32 v1, v20;
	_ =	sdelay $0x2  }
0x1b3: {  	v19 =	vshll.u32 v19, $0x7  }
0x1b4: {  	v19 =	vand.u32 $0xF80, v19  }
0x1b5: {  	v22 =	vor.u32 v0, v19;
	v21 =	vld.idx.msk [tilespmem:v21+s19+$0x0], $0xffff  }
0x1b6: {  	v23 =	vor.u32 v2, v20;
	_ =	sdelay $0x3  }
0x1b7: {  	[tilespmem:v22+s28+$0x0] =	vst.idx.msk $0xffff, v21  }
0x1b8: {  	v22 =	vor.u32 v3, v19;
	v21 =	vld.idx.msk [tilespmem:v23+s19+$0x0], $0xffff  }
0x1b9: {  	v23 =	vor.u32 v4, v20;
	_ =	sdelay $0x3  }
0x1ba: {  	[tilespmem:v22+s28+$0x0] =	vst.idx.msk $0xffff, v21  }
0x1bb: {  	v22 =	vor.u32 v5, v19;
	v21 =	vld.idx.msk [tilespmem:v23+s19+$0x0], $0xffff  }
0x1bc: {  	v23 =	vor.u32 v6, v20;
	_ =	sdelay $0x3  }
0x1bd: {  	[tilespmem:v22+s28+$0x0] =	vst.idx.msk $0xffff, v21  }
0x1be: {  	v22 =	vor.u32 v7, v19;
	v21 =	vld.idx.msk [tilespmem:v23+s19+$0x0], $0xffff  }
0x1bf: {  	v23 =	vor.u32 v8, v20;
	_ =	sdelay $0x3  }
0x1c0: {  	[tilespmem:v22+s28+$0x0] =	vst.idx.msk $0xffff, v21  }
0x1c1: {  	v22 =	vor.u32 v9, v19;
	v21 =	vld.idx.msk [tilespmem:v23+s19+$0x0], $0xffff  }
0x1c2: {  	v23 =	vor.u32 v10, v20;
	_ =	sdelay $0x3  }
0x1c3: {  	[tilespmem:v22+s28+$0x0] =	vst.idx.msk $0xffff, v21  }
0x1c4: {  	v22 =	vor.u32 v11, v19;
	v21 =	vld.idx.msk [tilespmem:v23+s19+$0x0], $0xffff  }
0x1c5: {  	v23 =	vor.u32 v12, v20;
	_ =	sdelay $0x3  }
0x1c6: {  	[tilespmem:v22+s28+$0x0] =	vst.idx.msk $0xffff, v21  }
0x1c7: {  	v22 =	vor.u32 v13, v19;
	v21 =	vld.idx.msk [tilespmem:v23+s19+$0x0], $0xffff  }
0x1c8: {  	v20 =	vor.u32 v14, v20;
	_ =	sdelay $0x3  }
0x1c9: {  	[tilespmem:v22+s28+$0x0] =	vst.idx.msk $0xffff, v21;
	v21 =	vadd.s32 s14, v16  }
0x1ca: {  	v19 =	vor.u32 v15, v19;
	v20 =	vld.idx.msk [tilespmem:v20+s19+$0x0], $0xffff;
	v22 =	vand.u32 $0x1F, v21  }
0x1cb: {  	v23 =	vor.u32 v1, v22;
	_ =	sdelay $0x2  }
0x1cc: {  	v21 =	vshll.u32 v21, $0x7  }
0x1cd: {  	[tilespmem:v19+s28+$0x0] =	vst.idx.msk $0xffff, v20;
	v19 =	vand.u32 $0xF80, v21  }
0x1ce: {  	v20 =	vld.idx.msk [tilespmem:v23+s19+$0x0], $0xffff;
	v21 =	vor.u32 v0, v19  }
0x1cf: {  	v23 =	vor.u32 v2, v22;
	_ =	sdelay $0x3  }
0x1d0: {  	[tilespmem:v21+s28+$0x0] =	vst.idx.msk $0xffff, v20  }
0x1d1: {  	v21 =	vor.u32 v3, v19;
	v20 =	vld.idx.msk [tilespmem:v23+s19+$0x0], $0xffff  }
0x1d2: {  	v23 =	vor.u32 v4, v22;
	_ =	sdelay $0x3  }
0x1d3: {  	[tilespmem:v21+s28+$0x0] =	vst.idx.msk $0xffff, v20  }
0x1d4: {  	v21 =	vor.u32 v5, v19;
	v20 =	vld.idx.msk [tilespmem:v23+s19+$0x0], $0xffff  }
0x1d5: {  	v23 =	vor.u32 v6, v22;
	_ =	sdelay $0x3  }
0x1d6: {  	[tilespmem:v21+s28+$0x0] =	vst.idx.msk $0xffff, v20  }
0x1d7: {  	v21 =	vor.u32 v7, v19;
	v20 =	vld.idx.msk [tilespmem:v23+s19+$0x0], $0xffff  }
0x1d8: {  	v23 =	vor.u32 v8, v22;
	_ =	sdelay $0x3  }
0x1d9: {  	[tilespmem:v21+s28+$0x0] =	vst.idx.msk $0xffff, v20  }
0x1da: {  	v21 =	vor.u32 v9, v19;
	v20 =	vld.idx.msk [tilespmem:v23+s19+$0x0], $0xffff  }
0x1db: {  	v23 =	vor.u32 v10, v22;
	_ =	sdelay $0x3  }
0x1dc: {  	[tilespmem:v21+s28+$0x0] =	vst.idx.msk $0xffff, v20  }
0x1dd: {  	v21 =	vor.u32 v11, v19;
	v20 =	vld.idx.msk [tilespmem:v23+s19+$0x0], $0xffff  }
0x1de: {  	v23 =	vor.u32 v12, v22;
	_ =	sdelay $0x3  }
0x1df: {  	[tilespmem:v21+s28+$0x0] =	vst.idx.msk $0xffff, v20  }
0x1e0: {  	v21 =	vor.u32 v13, v19;
	v20 =	vld.idx.msk [tilespmem:v23+s19+$0x0], $0xffff  }
0x1e1: {  	v22 =	vor.u32 v14, v22;
	_ =	sdelay $0x3  }
0x1e2: {  	[tilespmem:v21+s28+$0x0] =	vst.idx.msk $0xffff, v20;
	v20 =	vadd.s32 s14, v17  }
0x1e3: {  	v19 =	vor.u32 v15, v19;
	v21 =	vld.idx.msk [tilespmem:v22+s19+$0x0], $0xffff;
	v22 =	vand.u32 $0x1F, v20  }
0x1e4: {  	v23 =	vor.u32 v1, v22;
	_ =	sdelay $0x2  }
0x1e5: {  	v20 =	vshll.u32 v20, $0x7  }
0x1e6: {  	[tilespmem:v19+s28+$0x0] =	vst.idx.msk $0xffff, v21;
	v19 =	vand.u32 $0xF80, v20  }
0x1e7: {  	v20 =	vld.idx.msk [tilespmem:v23+s19+$0x0], $0xffff;
	v21 =	vor.u32 v0, v19  }
0x1e8: {  	v23 =	vor.u32 v2, v22;
	_ =	sdelay $0x3  }
0x1e9: {  	[tilespmem:v21+s28+$0x0] =	vst.idx.msk $0xffff, v20  }
0x1ea: {  	v21 =	vor.u32 v3, v19;
	v20 =	vld.idx.msk [tilespmem:v23+s19+$0x0], $0xffff  }
0x1eb: {  	v23 =	vor.u32 v4, v22;
	_ =	sdelay $0x3  }
0x1ec: {  	[tilespmem:v21+s28+$0x0] =	vst.idx.msk $0xffff, v20  }
0x1ed: {  	v21 =	vor.u32 v5, v19;
	v20 =	vld.idx.msk [tilespmem:v23+s19+$0x0], $0xffff  }
0x1ee: {  	v23 =	vor.u32 v6, v22;
	_ =	sdelay $0x3  }
0x1ef: {  	[tilespmem:v21+s28+$0x0] =	vst.idx.msk $0xffff, v20  }
0x1f0: {  	v21 =	vor.u32 v7, v19;
	v20 =	vld.idx.msk [tilespmem:v23+s19+$0x0], $0xffff  }
0x1f1: {  	v23 =	vor.u32 v8, v22;
	_ =	sdelay $0x3  }
0x1f2: {  	[tilespmem:v21+s28+$0x0] =	vst.idx.msk $0xffff, v20  }
0x1f3: {  	v21 =	vor.u32 v9, v19;
	v20 =	vld.idx.msk [tilespmem:v23+s19+$0x0], $0xffff  }
0x1f4: {  	v23 =	vor.u32 v10, v22;
	_ =	sdelay $0x3  }
0x1f5: {  	[tilespmem:v21+s28+$0x0] =	vst.idx.msk $0xffff, v20  }
0x1f6: {  	v21 =	vor.u32 v11, v19;
	v20 =	vld.idx.msk [tilespmem:v23+s19+$0x0], $0xffff  }
0x1f7: {  	v23 =	vor.u32 v12, v22;
	_ =	sdelay $0x3  }
0x1f8: {  	[tilespmem:v21+s28+$0x0] =	vst.idx.msk $0xffff, v20  }
0x1f9: {  	v21 =	vor.u32 v13, v19;
	v20 =	vld.idx.msk [tilespmem:v23+s19+$0x0], $0xffff  }
0x1fa: {  	v22 =	vor.u32 v14, v22;
	_ =	sdelay $0x3  }
0x1fb: {  	[tilespmem:v21+s28+$0x0] =	vst.idx.msk $0xffff, v20;
	v20 =	vadd.s32 s14, v18  }
0x1fc: {  	v19 =	vor.u32 v15, v19;
	v21 =	vld.idx.msk [tilespmem:v22+s19+$0x0], $0xffff;
	v22 =	vand.u32 $0x1F, v20  }
0x1fd: {  	v23 =	vor.u32 v1, v22;
	_ =	sdelay $0x2  }
0x1fe: {  	v20 =	vshll.u32 v20, $0x7  }
0x1ff: {  	[tilespmem:v19+s28+$0x0] =	vst.idx.msk $0xffff, v21;
	v19 =	vand.u32 $0xF80, v20  }
0x200: {  	v20 =	vld.idx.msk [tilespmem:v23+s19+$0x0], $0xffff;
	v21 =	vor.u32 v0, v19  }
0x201: {  	v23 =	vor.u32 v2, v22;
	_ =	sdelay $0x3  }
0x202: {  	[tilespmem:v21+s28+$0x0] =	vst.idx.msk $0xffff, v20  }
0x203: {  	v21 =	vor.u32 v3, v19;
	v20 =	vld.idx.msk [tilespmem:v23+s19+$0x0], $0xffff  }
0x204: {  	v23 =	vor.u32 v4, v22;
	_ =	sdelay $0x3  }
0x205: {  	[tilespmem:v21+s28+$0x0] =	vst.idx.msk $0xffff, v20  }
0x206: {  	v21 =	vor.u32 v5, v19;
	v20 =	vld.idx.msk [tilespmem:v23+s19+$0x0], $0xffff  }
0x207: {  	v23 =	vor.u32 v6, v22;
	_ =	sdelay $0x3  }
0x208: {  	[tilespmem:v21+s28+$0x0] =	vst.idx.msk $0xffff, v20  }
0x209: {  	v21 =	vor.u32 v7, v19;
	v20 =	vld.idx.msk [tilespmem:v23+s19+$0x0], $0xffff  }
0x20a: {  	v23 =	vor.u32 v8, v22;
	_ =	sdelay $0x3  }
0x20b: {  	[tilespmem:v21+s28+$0x0] =	vst.idx.msk $0xffff, v20  }
0x20c: {  	v21 =	vor.u32 v9, v19;
	v20 =	vld.idx.msk [tilespmem:v23+s19+$0x0], $0xffff  }
0x20d: {  	v23 =	vor.u32 v10, v22;
	_ =	sdelay $0x3  }
0x20e: {  	[tilespmem:v21+s28+$0x0] =	vst.idx.msk $0xffff, v20  }
0x20f: {  	v21 =	vor.u32 v11, v19;
	v20 =	vld.idx.msk [tilespmem:v23+s19+$0x0], $0xffff  }
0x210: {  	v23 =	vor.u32 v12, v22;
	_ =	sdelay $0x3  }
0x211: {  	[tilespmem:v21+s28+$0x0] =	vst.idx.msk $0xffff, v20  }
0x212: {  	v21 =	vor.u32 v13, v19;
	v20 =	vld.idx.msk [tilespmem:v23+s19+$0x0], $0xffff  }
0x213: {  	v22 =	vor.u32 v14, v22;
	_ =	sdelay $0x3  }
0x214: {  	s14 =	simm.s32 $0x4;
	[tilespmem:v21+s28+$0x0] =	vst.idx.msk $0xffff, v20  }
0x215: {  	s17 =	simm.s32 $0x8;
	v20 =	vadd.s32 s14, v0;
	v21 =	vld.idx.msk [tilespmem:v22+s19+$0x0], $0xffff  }
.LBB2_9:
0x216: {  	p0 =	sne.s32 s17, $0x1C;
	v22 =	vand.u32 $0x1F, v20;
	v19 =	vor.u32 v15, v19  }
0x217: {  	v23 =	vor.u32 v1, v22;
	_ =	sdelay $0x3  }
0x218: {  	v20 =	vshll.u32 v20, $0x7;
	[tilespmem:v19+s28+$0x0] =	vst.idx.msk $0xffff, v21  }
0x219: {  	v20 =	vand.u32 $0xF80, v20;
	v19 =	vld.idx.msk [tilespmem:v23+s19+$0x0], $0xffff  }
0x21a: {  	v21 =	vor.u32 v0, v20  }
0x21b: {  	v23 =	vor.u32 v2, v22;
	_ =	sdelay $0x3  }
0x21c: {  	[tilespmem:v21+s28+$0x0] =	vst.idx.msk $0xffff, v19  }
0x21d: {  	v19 =	vld.idx.msk [tilespmem:v23+s19+$0x0], $0xffff  }
0x21e: {  	v21 =	vor.u32 v3, v20  }
0x21f: {  	v23 =	vor.u32 v4, v22;
	_ =	sdelay $0x3  }
0x220: {  	[tilespmem:v21+s28+$0x0] =	vst.idx.msk $0xffff, v19  }
0x221: {  	v19 =	vld.idx.msk [tilespmem:v23+s19+$0x0], $0xffff  }
0x222: {  	v21 =	vor.u32 v5, v20  }
0x223: {  	v23 =	vor.u32 v6, v22;
	_ =	sdelay $0x3  }
0x224: {  	[tilespmem:v21+s28+$0x0] =	vst.idx.msk $0xffff, v19  }
0x225: {  	v19 =	vld.idx.msk [tilespmem:v23+s19+$0x0], $0xffff  }
0x226: {  	v21 =	vor.u32 v7, v20  }
0x227: {  	v23 =	vor.u32 v8, v22;
	_ =	sdelay $0x3  }
0x228: {  	[tilespmem:v21+s28+$0x0] =	vst.idx.msk $0xffff, v19  }
0x229: {  	v19 =	vld.idx.msk [tilespmem:v23+s19+$0x0], $0xffff  }
0x22a: {  	v21 =	vor.u32 v9, v20  }
0x22b: {  	v23 =	vor.u32 v10, v22;
	_ =	sdelay $0x3  }
0x22c: {  	[tilespmem:v21+s28+$0x0] =	vst.idx.msk $0xffff, v19  }
0x22d: {  	v19 =	vld.idx.msk [tilespmem:v23+s19+$0x0], $0xffff  }
0x22e: {  	v21 =	vor.u32 v11, v20  }
0x22f: {  	v23 =	vor.u32 v12, v22;
	_ =	sdelay $0x3  }
0x230: {  	[tilespmem:v21+s28+$0x0] =	vst.idx.msk $0xffff, v19  }
0x231: {  	v19 =	vld.idx.msk [tilespmem:v23+s19+$0x0], $0xffff  }
0x232: {  	v21 =	vor.u32 v13, v20  }
0x233: {  	v22 =	vor.u32 v14, v22;
	_ =	sdelay $0x3  }
0x234: {  	[tilespmem:v21+s28+$0x0] =	vst.idx.msk $0xffff, v19  }
0x235: {  	v21 =	vadd.s32 s14, v16;
	v19 =	vld.idx.msk [tilespmem:v22+s19+$0x0], $0xffff  }
0x236: {  	v20 =	vor.u32 v15, v20;
	v22 =	vand.u32 $0x1F, v21  }
0x237: {  	v23 =	vor.u32 v1, v22;
	_ =	sdelay $0x3  }
0x238: {  	[tilespmem:v20+s28+$0x0] =	vst.idx.msk $0xffff, v19;
	v19 =	vshll.u32 v21, $0x7  }
0x239: {  	v20 =	vld.idx.msk [tilespmem:v23+s19+$0x0], $0xffff;
	v19 =	vand.u32 $0xF80, v19  }
0x23a: {  	v21 =	vor.u32 v0, v19  }
0x23b: {  	v23 =	vor.u32 v2, v22;
	_ =	sdelay $0x3  }
0x23c: {  	[tilespmem:v21+s28+$0x0] =	vst.idx.msk $0xffff, v20  }
0x23d: {  	v20 =	vld.idx.msk [tilespmem:v23+s19+$0x0], $0xffff  }
0x23e: {  	v21 =	vor.u32 v3, v19  }
0x23f: {  	v23 =	vor.u32 v4, v22;
	_ =	sdelay $0x3  }
0x240: {  	[tilespmem:v21+s28+$0x0] =	vst.idx.msk $0xffff, v20  }
0x241: {  	v20 =	vld.idx.msk [tilespmem:v23+s19+$0x0], $0xffff  }
0x242: {  	v21 =	vor.u32 v5, v19  }
0x243: {  	v23 =	vor.u32 v6, v22;
	_ =	sdelay $0x3  }
0x244: {  	[tilespmem:v21+s28+$0x0] =	vst.idx.msk $0xffff, v20  }
0x245: {  	v20 =	vld.idx.msk [tilespmem:v23+s19+$0x0], $0xffff  }
0x246: {  	v21 =	vor.u32 v7, v19  }
0x247: {  	v23 =	vor.u32 v8, v22;
	_ =	sdelay $0x3  }
0x248: {  	[tilespmem:v21+s28+$0x0] =	vst.idx.msk $0xffff, v20  }
0x249: {  	v20 =	vld.idx.msk [tilespmem:v23+s19+$0x0], $0xffff  }
0x24a: {  	v21 =	vor.u32 v9, v19  }
0x24b: {  	v23 =	vor.u32 v10, v22;
	_ =	sdelay $0x3  }
0x24c: {  	[tilespmem:v21+s28+$0x0] =	vst.idx.msk $0xffff, v20  }
0x24d: {  	v20 =	vld.idx.msk [tilespmem:v23+s19+$0x0], $0xffff  }
0x24e: {  	v21 =	vor.u32 v11, v19  }
0x24f: {  	v23 =	vor.u32 v12, v22;
	_ =	sdelay $0x3  }
0x250: {  	[tilespmem:v21+s28+$0x0] =	vst.idx.msk $0xffff, v20  }
0x251: {  	v20 =	vld.idx.msk [tilespmem:v23+s19+$0x0], $0xffff  }
0x252: {  	v21 =	vor.u32 v13, v19  }
0x253: {  	v22 =	vor.u32 v14, v22;
	_ =	sdelay $0x3  }
0x254: {  	[tilespmem:v21+s28+$0x0] =	vst.idx.msk $0xffff, v20  }
0x255: {  	v21 =	vadd.s32 s14, v17;
	v20 =	vld.idx.msk [tilespmem:v22+s19+$0x0], $0xffff  }
0x256: {  	v19 =	vor.u32 v15, v19;
	v22 =	vand.u32 $0x1F, v21  }
0x257: {  	v23 =	vor.u32 v1, v22;
	_ =	sdelay $0x3  }
0x258: {  	[tilespmem:v19+s28+$0x0] =	vst.idx.msk $0xffff, v20;
	v19 =	vshll.u32 v21, $0x7  }
0x259: {  	v20 =	vld.idx.msk [tilespmem:v23+s19+$0x0], $0xffff;
	v19 =	vand.u32 $0xF80, v19  }
0x25a: {  	v21 =	vor.u32 v0, v19  }
0x25b: {  	v23 =	vor.u32 v2, v22;
	_ =	sdelay $0x3  }
0x25c: {  	[tilespmem:v21+s28+$0x0] =	vst.idx.msk $0xffff, v20  }
0x25d: {  	v20 =	vld.idx.msk [tilespmem:v23+s19+$0x0], $0xffff  }
0x25e: {  	v21 =	vor.u32 v3, v19  }
0x25f: {  	v23 =	vor.u32 v4, v22;
	_ =	sdelay $0x3  }
0x260: {  	[tilespmem:v21+s28+$0x0] =	vst.idx.msk $0xffff, v20  }
0x261: {  	v20 =	vld.idx.msk [tilespmem:v23+s19+$0x0], $0xffff  }
0x262: {  	v21 =	vor.u32 v5, v19  }
0x263: {  	v23 =	vor.u32 v6, v22;
	_ =	sdelay $0x3  }
0x264: {  	[tilespmem:v21+s28+$0x0] =	vst.idx.msk $0xffff, v20  }
0x265: {  	v20 =	vld.idx.msk [tilespmem:v23+s19+$0x0], $0xffff  }
0x266: {  	v21 =	vor.u32 v7, v19  }
0x267: {  	v23 =	vor.u32 v8, v22;
	_ =	sdelay $0x3  }
0x268: {  	[tilespmem:v21+s28+$0x0] =	vst.idx.msk $0xffff, v20  }
0x269: {  	v20 =	vld.idx.msk [tilespmem:v23+s19+$0x0], $0xffff  }
0x26a: {  	v21 =	vor.u32 v9, v19  }
0x26b: {  	v23 =	vor.u32 v10, v22;
	_ =	sdelay $0x3  }
0x26c: {  	[tilespmem:v21+s28+$0x0] =	vst.idx.msk $0xffff, v20  }
0x26d: {  	v20 =	vld.idx.msk [tilespmem:v23+s19+$0x0], $0xffff  }
0x26e: {  	v21 =	vor.u32 v11, v19  }
0x26f: {  	v23 =	vor.u32 v12, v22;
	_ =	sdelay $0x3  }
0x270: {  	[tilespmem:v21+s28+$0x0] =	vst.idx.msk $0xffff, v20  }
0x271: {  	v20 =	vld.idx.msk [tilespmem:v23+s19+$0x0], $0xffff  }
0x272: {  	v21 =	vor.u32 v13, v19  }
0x273: {  	v22 =	vor.u32 v14, v22;
	_ =	sdelay $0x3  }
0x274: {  	[tilespmem:v21+s28+$0x0] =	vst.idx.msk $0xffff, v20  }
0x275: {  	v21 =	vadd.s32 s14, v18;
	s14 =	smov.u32 s17;
	v20 =	vld.idx.msk [tilespmem:v22+s19+$0x0], $0xffff  }
0x276: {  	v19 =	vor.u32 v15, v19;
	v22 =	vand.u32 $0x1F, v21  }
0x277: {  	v23 =	vor.u32 v1, v22;
	_ =	sdelay $0x3  }
0x278: {  	[tilespmem:v19+s28+$0x0] =	vst.idx.msk $0xffff, v20;
	v19 =	vshll.u32 v21, $0x7  }
0x279: {  	v20 =	vld.idx.msk [tilespmem:v23+s19+$0x0], $0xffff;
	v19 =	vand.u32 $0xF80, v19  }
0x27a: {  	v21 =	vor.u32 v0, v19  }
0x27b: {  	v23 =	vor.u32 v2, v22;
	_ =	sdelay $0x3  }
0x27c: {  	[tilespmem:v21+s28+$0x0] =	vst.idx.msk $0xffff, v20  }
0x27d: {  	v20 =	vld.idx.msk [tilespmem:v23+s19+$0x0], $0xffff  }
0x27e: {  	v21 =	vor.u32 v3, v19  }
0x27f: {  	v23 =	vor.u32 v4, v22;
	_ =	sdelay $0x3  }
0x280: {  	[tilespmem:v21+s28+$0x0] =	vst.idx.msk $0xffff, v20  }
0x281: {  	v20 =	vld.idx.msk [tilespmem:v23+s19+$0x0], $0xffff  }
0x282: {  	v21 =	vor.u32 v5, v19  }
0x283: {  	v23 =	vor.u32 v6, v22;
	_ =	sdelay $0x3  }
0x284: {  	[tilespmem:v21+s28+$0x0] =	vst.idx.msk $0xffff, v20  }
0x285: {  	v20 =	vld.idx.msk [tilespmem:v23+s19+$0x0], $0xffff  }
0x286: {  	v21 =	vor.u32 v7, v19  }
0x287: {  	v23 =	vor.u32 v8, v22;
	_ =	sdelay $0x3  }
0x288: {  	[tilespmem:v21+s28+$0x0] =	vst.idx.msk $0xffff, v20  }
0x289: {  	v20 =	vld.idx.msk [tilespmem:v23+s19+$0x0], $0xffff  }
0x28a: {  	v21 =	vor.u32 v9, v19  }
0x28b: {  	v23 =	vor.u32 v10, v22;
	_ =	sdelay $0x3  }
0x28c: {  	[tilespmem:v21+s28+$0x0] =	vst.idx.msk $0xffff, v20  }
0x28d: {  	v20 =	vld.idx.msk [tilespmem:v23+s19+$0x0], $0xffff  }
0x28e: {  	v21 =	vor.u32 v11, v19  }
0x28f: {  	v23 =	vor.u32 v12, v22;
	_ =	sdelay $0x3  }
0x290: {  	[tilespmem:v21+s28+$0x0] =	vst.idx.msk $0xffff, v20  }
0x291: {  	v20 =	vld.idx.msk [tilespmem:v23+s19+$0x0], $0xffff  }
0x292: {  	v21 =	vor.u32 v13, v19  }
0x293: {  	v22 =	vor.u32 v14, v22  }
.Ltmp6:
0x294: {  	(pc) =	sbr.rel @p0 .LBB2_9-.Ltmp6, $3  }
0x295: {  	_ =	sdelay $0x1  }
0x296: {  	[tilespmem:v21+s28+$0x0] =	vst.idx.msk $0xffff, v20  }
0x297: {  	s17 =	sadd.s32 $0x4, s17;
	v20 =	vadd.s32 s14, v0;
	v21 =	vld.idx.msk [tilespmem:v22+s19+$0x0], $0xffff  }
0x298: {  	v22 =	vand.u32 $0x1F, v20;
	v19 =	vor.u32 v15, v19  }
0x299: {  	v23 =	vor.u32 v1, v22;
	_ =	sdelay $0x2  }
0x29a: {  	v20 =	vshll.u32 v20, $0x7  }
0x29b: {  	[tilespmem:v19+s28+$0x0] =	vst.idx.msk $0xffff, v21;
	v19 =	vand.u32 $0xF80, v20  }
0x29c: {  	v20 =	vld.idx.msk [tilespmem:v23+s19+$0x0], $0xffff;
	v46 =	vor.u32 v0, v19  }
0x29d: {  	v47 =	vor.u32 v2, v22;
	_ =	sdelay $0x3  }
0x29e: {  	[tilespmem:v46+s28+$0x0] =	vst.idx.msk $0xffff, v20  }
0x29f: {  	v48 =	vor.u32 v3, v19;
	v20 =	vld.idx.msk [tilespmem:v47+s19+$0x0], $0xffff  }
0x2a0: {  	v49 =	vor.u32 v4, v22;
	_ =	sdelay $0x3  }
0x2a1: {  	[tilespmem:v48+s28+$0x0] =	vst.idx.msk $0xffff, v20  }
0x2a2: {  	v50 =	vor.u32 v5, v19;
	v20 =	vld.idx.msk [tilespmem:v49+s19+$0x0], $0xffff  }
0x2a3: {  	v51 =	vor.u32 v6, v22;
	_ =	sdelay $0x3  }
0x2a4: {  	[tilespmem:v50+s28+$0x0] =	vst.idx.msk $0xffff, v20  }
0x2a5: {  	v52 =	vor.u32 v7, v19;
	v20 =	vld.idx.msk [tilespmem:v51+s19+$0x0], $0xffff  }
0x2a6: {  	v53 =	vor.u32 v8, v22;
	_ =	sdelay $0x3  }
0x2a7: {  	[tilespmem:v52+s28+$0x0] =	vst.idx.msk $0xffff, v20  }
0x2a8: {  	v54 =	vor.u32 v9, v19;
	v20 =	vld.idx.msk [tilespmem:v53+s19+$0x0], $0xffff  }
0x2a9: {  	v55 =	vor.u32 v10, v22;
	_ =	sdelay $0x3  }
0x2aa: {  	[tilespmem:v54+s28+$0x0] =	vst.idx.msk $0xffff, v20  }
0x2ab: {  	v56 =	vor.u32 v11, v19;
	v20 =	vld.idx.msk [tilespmem:v55+s19+$0x0], $0xffff  }
0x2ac: {  	v57 =	vor.u32 v12, v22;
	_ =	sdelay $0x3  }
0x2ad: {  	[tilespmem:v56+s28+$0x0] =	vst.idx.msk $0xffff, v20  }
0x2ae: {  	v58 =	vor.u32 v13, v19;
	v20 =	vld.idx.msk [tilespmem:v57+s19+$0x0], $0xffff  }
0x2af: {  	v22 =	vor.u32 v14, v22;
	_ =	sdelay $0x3  }
0x2b0: {  	[tilespmem:v58+s28+$0x0] =	vst.idx.msk $0xffff, v20;
	v20 =	vadd.s32 s14, v16  }
0x2b1: {  	v19 =	vor.u32 v15, v19;
	v21 =	vld.idx.msk [tilespmem:v22+s19+$0x0], $0xffff;
	v59 =	vand.u32 $0x1F, v20  }
0x2b2: {  	v60 =	vor.u32 v1, v59;
	_ =	sdelay $0x2  }
0x2b3: {  	v20 =	vshll.u32 v20, $0x7  }
0x2b4: {  	[tilespmem:v19+s28+$0x0] =	vst.idx.msk $0xffff, v21;
	v19 =	vand.u32 $0xF80, v20  }
0x2b5: {  	v20 =	vld.idx.msk [tilespmem:v60+s19+$0x0], $0xffff;
	v61 =	vor.u32 v0, v19  }
0x2b6: {  	v62 =	vor.u32 v2, v59;
	_ =	sdelay $0x3  }
0x2b7: {  	[tilespmem:v61+s28+$0x0] =	vst.idx.msk $0xffff, v20  }
0x2b8: {  	v63 =	vor.u32 v3, v19;
	v20 =	vld.idx.msk [tilespmem:v62+s19+$0x0], $0xffff  }
0x2b9: {  	v24 =	vor.u32 v4, v59;
	_ =	sdelay $0x3  }
0x2ba: {  	[tilespmem:v63+s28+$0x0] =	vst.idx.msk $0xffff, v20  }
0x2bb: {  	v25 =	vor.u32 v5, v19;
	v20 =	vld.idx.msk [tilespmem:v24+s19+$0x0], $0xffff  }
0x2bc: {  	v26 =	vor.u32 v6, v59;
	_ =	sdelay $0x3  }
0x2bd: {  	[tilespmem:v25+s28+$0x0] =	vst.idx.msk $0xffff, v20  }
0x2be: {  	v27 =	vor.u32 v7, v19;
	v20 =	vld.idx.msk [tilespmem:v26+s19+$0x0], $0xffff  }
0x2bf: {  	v28 =	vor.u32 v8, v59;
	_ =	sdelay $0x3  }
0x2c0: {  	[tilespmem:v27+s28+$0x0] =	vst.idx.msk $0xffff, v20  }
0x2c1: {  	v29 =	vor.u32 v9, v19;
	v20 =	vld.idx.msk [tilespmem:v28+s19+$0x0], $0xffff  }
0x2c2: {  	v30 =	vor.u32 v10, v59;
	_ =	sdelay $0x3  }
0x2c3: {  	[tilespmem:v29+s28+$0x0] =	vst.idx.msk $0xffff, v20  }
0x2c4: {  	v31 =	vor.u32 v11, v19;
	v20 =	vld.idx.msk [tilespmem:v30+s19+$0x0], $0xffff  }
0x2c5: {  	v32 =	vor.u32 v12, v59;
	_ =	sdelay $0x3  }
0x2c6: {  	[tilespmem:v31+s28+$0x0] =	vst.idx.msk $0xffff, v20  }
0x2c7: {  	v33 =	vor.u32 v13, v19;
	v20 =	vld.idx.msk [tilespmem:v32+s19+$0x0], $0xffff  }
0x2c8: {  	v22 =	vor.u32 v14, v59;
	_ =	sdelay $0x3  }
0x2c9: {  	[tilespmem:v33+s28+$0x0] =	vst.idx.msk $0xffff, v20;
	v20 =	vadd.s32 s14, v17  }
0x2ca: {  	v19 =	vor.u32 v15, v19;
	v21 =	vld.idx.msk [tilespmem:v22+s19+$0x0], $0xffff;
	v34 =	vand.u32 $0x1F, v20  }
0x2cb: {  	v35 =	vor.u32 v1, v34;
	_ =	sdelay $0x2  }
0x2cc: {  	v20 =	vshll.u32 v20, $0x7  }
0x2cd: {  	[tilespmem:v19+s28+$0x0] =	vst.idx.msk $0xffff, v21;
	v19 =	vand.u32 $0xF80, v20  }
0x2ce: {  	v20 =	vld.idx.msk [tilespmem:v35+s19+$0x0], $0xffff;
	v36 =	vor.u32 v0, v19  }
0x2cf: {  	v37 =	vor.u32 v2, v34;
	_ =	sdelay $0x3  }
0x2d0: {  	[tilespmem:v36+s28+$0x0] =	vst.idx.msk $0xffff, v20  }
0x2d1: {  	v38 =	vor.u32 v3, v19;
	v20 =	vld.idx.msk [tilespmem:v37+s19+$0x0], $0xffff  }
0x2d2: {  	v39 =	vor.u32 v4, v34;
	_ =	sdelay $0x3  }
0x2d3: {  	[tilespmem:v38+s28+$0x0] =	vst.idx.msk $0xffff, v20  }
0x2d4: {  	v40 =	vor.u32 v5, v19;
	v20 =	vld.idx.msk [tilespmem:v39+s19+$0x0], $0xffff  }
0x2d5: {  	v41 =	vor.u32 v6, v34;
	_ =	sdelay $0x3  }
0x2d6: {  	[tilespmem:v40+s28+$0x0] =	vst.idx.msk $0xffff, v20  }
0x2d7: {  	v42 =	vor.u32 v7, v19;
	v20 =	vld.idx.msk [tilespmem:v41+s19+$0x0], $0xffff  }
0x2d8: {  	v43 =	vor.u32 v8, v34;
	_ =	sdelay $0x3  }
0x2d9: {  	[tilespmem:v42+s28+$0x0] =	vst.idx.msk $0xffff, v20  }
0x2da: {  	v44 =	vor.u32 v9, v19;
	v20 =	vld.idx.msk [tilespmem:v43+s19+$0x0], $0xffff  }
0x2db: {  	v45 =	vor.u32 v10, v34;
	_ =	sdelay $0x3  }
0x2dc: {  	[tilespmem:v44+s28+$0x0] =	vst.idx.msk $0xffff, v20  }
0x2dd: {  	v46 =	vor.u32 v11, v19;
	v20 =	vld.idx.msk [tilespmem:v45+s19+$0x0], $0xffff  }
0x2de: {  	v47 =	vor.u32 v12, v34;
	_ =	sdelay $0x3  }
0x2df: {  	[tilespmem:v46+s28+$0x0] =	vst.idx.msk $0xffff, v20  }
0x2e0: {  	v48 =	vor.u32 v13, v19;
	v20 =	vld.idx.msk [tilespmem:v47+s19+$0x0], $0xffff  }
0x2e1: {  	v22 =	vor.u32 v14, v34;
	_ =	sdelay $0x3  }
0x2e2: {  	[tilespmem:v48+s28+$0x0] =	vst.idx.msk $0xffff, v20;
	v20 =	vadd.s32 s14, v18  }
0x2e3: {  	v19 =	vor.u32 v15, v19;
	v21 =	vld.idx.msk [tilespmem:v22+s19+$0x0], $0xffff;
	v49 =	vand.u32 $0x1F, v20  }
0x2e4: {  	v50 =	vor.u32 v1, v49;
	_ =	sdelay $0x2  }
0x2e5: {  	v20 =	vshll.u32 v20, $0x7  }
0x2e6: {  	[tilespmem:v19+s28+$0x0] =	vst.idx.msk $0xffff, v21;
	v19 =	vand.u32 $0xF80, v20  }
0x2e7: {  	v20 =	vld.idx.msk [tilespmem:v50+s19+$0x0], $0xffff;
	v51 =	vor.u32 v0, v19  }
0x2e8: {  	v52 =	vor.u32 v2, v49;
	_ =	sdelay $0x3  }
0x2e9: {  	[tilespmem:v51+s28+$0x0] =	vst.idx.msk $0xffff, v20  }
0x2ea: {  	v53 =	vor.u32 v3, v19;
	v20 =	vld.idx.msk [tilespmem:v52+s19+$0x0], $0xffff  }
0x2eb: {  	v54 =	vor.u32 v4, v49;
	_ =	sdelay $0x3  }
0x2ec: {  	[tilespmem:v53+s28+$0x0] =	vst.idx.msk $0xffff, v20  }
0x2ed: {  	v55 =	vor.u32 v5, v19;
	v20 =	vld.idx.msk [tilespmem:v54+s19+$0x0], $0xffff  }
0x2ee: {  	v56 =	vor.u32 v6, v49;
	_ =	sdelay $0x3  }
0x2ef: {  	[tilespmem:v55+s28+$0x0] =	vst.idx.msk $0xffff, v20  }
0x2f0: {  	v57 =	vor.u32 v7, v19;
	v20 =	vld.idx.msk [tilespmem:v56+s19+$0x0], $0xffff  }
0x2f1: {  	v58 =	vor.u32 v8, v49;
	_ =	sdelay $0x3  }
0x2f2: {  	[tilespmem:v57+s28+$0x0] =	vst.idx.msk $0xffff, v20  }
0x2f3: {  	v59 =	vor.u32 v9, v19;
	v20 =	vld.idx.msk [tilespmem:v58+s19+$0x0], $0xffff  }
0x2f4: {  	v60 =	vor.u32 v10, v49;
	_ =	sdelay $0x3  }
0x2f5: {  	[tilespmem:v59+s28+$0x0] =	vst.idx.msk $0xffff, v20  }
0x2f6: {  	v61 =	vor.u32 v11, v19;
	v20 =	vld.idx.msk [tilespmem:v60+s19+$0x0], $0xffff  }
0x2f7: {  	v62 =	vor.u32 v12, v49;
	_ =	sdelay $0x3  }
0x2f8: {  	[tilespmem:v61+s28+$0x0] =	vst.idx.msk $0xffff, v20  }
0x2f9: {  	v63 =	vor.u32 v13, v19;
	v20 =	vld.idx.msk [tilespmem:v62+s19+$0x0], $0xffff  }
0x2fa: {  	v22 =	vor.u32 v14, v49;
	_ =	sdelay $0x3  }
0x2fb: {  	[tilespmem:v63+s28+$0x0] =	vst.idx.msk $0xffff, v20  }
0x2fc: {  	v19 =	vor.u32 v15, v19;
	v20 =	vld.idx.msk [tilespmem:v22+s19+$0x0], $0xffff;
	_ =	sdelay $0x4  }
0x2fd: {  	s17 =	sadd.s32 s5, s10;
	[tilespmem:v19+s28+$0x0] =	vst.idx.msk $0xffff, v20  }
0x2fe: {  	[hbm4b:s17+s3] =	stream.linear.scatter [tilespmem:s28], [sflag:$0x4], $0x400, $0x38;
	[tilespmem:$0xA400] =	vst v63  }
0x2ff: {  	p0 =	seq.s32 s16, $0x63;
	s17 =	sadd.s32 s5, s11  }
0x300: {  	[hbm4b:s17+s3] =	stream.linear.scatter [tilespmem:s29], [sflag:$0x4], $0x400, $0x38;
	[tilespmem:$0xA400] =	vst v63  }
.Ltmp7:
0x301: {  	_ = 	snop;
	(pc) =	sbr.rel @p0 .LBB2_12-.Ltmp7, $4  }
0x302: {  	s17 =	sadd.s32 s5, s12  }
0x303: {  	[hbm4b:s17+s3] =	stream.linear.scatter [tilespmem:s30], [sflag:$0x4], $0x400, $0x38;
	[tilespmem:$0xA400] =	vst v63  }
0x304: {  	s17 =	sadd.s32 s5, s13  }
0x305: {  	[hbm4b:s17+s3] =	stream.linear.scatter [tilespmem:s31], [sflag:$0x4], $0x400, $0x38;
	[tilespmem:$0xA400] =	vst v63  }
.Ltmp8:
0x306: {  	(pc) =	sbr.rel .LBB2_2-.Ltmp8, $4  }
0x307: {  	s5 =	sshll.u32 s16, $0x8  }
0x308: {  	s5 =	sand.u32 $0x3FFFFF00, s5  }
0x309: {  	s16 =	sadd.s32 $0x1, s16;
	s5 =	sadd.s32 $0x180, s5  }
0x30a: {  	[tilespmem:s19], [sflag:$0x2] =	stream.indirect.gather [hbm4b:s4+s15], $0x20, s5, s15, $0xb8;
	[tilespmem:$0xA400] =	vst v63  }
.LBB2_13:
0x30b: {  	_ =	sfence.sel $0x180000  }
0x30c: {  	[bflag:$0x0] =	sbarrier.arrive $0xFFFF  }
0x30d: {  	_ =	strace $0x90000047  }
0x30e: {  	s0 =	stileid.u32;
	[bflag:$0x2] =	sbarrier.arrive $0xFFFF  }
0x30f: {  	p0 =	sne.s32 s0, $0x0;
	s0 =	rddreg [dreg:$0x2]  }
0x310: {  	s0 =	sadd.s32 @!p0 $0x100000, s0  }
0x311: {  	[sflag:s0] =	ssyncadd.tile.s32 @!p0 $0x1;
	_ =	shalt  }
.Lfunc_end2:
_tile_overlayer_lowered:
.L_overlay_start_2:
0x312: {  	(tag) =	ssettag $0x2  }
0x313: {  	s0 =	rddreg [dreg:$0x0];
	s2 =	stileid.u32  }
0x314: {  	s1 =	rddreg [dreg:$0x1];
	p0 =	sne.s32 s2, $0x0  }
0x315: {  	s3 =	rddreg [dreg:$0x2];
	[bflag:$0x3] =	sbarrier.arrive $0xFFFF;
	s2 =	simm.s32 @!p0 $0x1C05  }
0x316: {  	[timem:s3], [sflag:s2] =	dma.local @!p0 [hbm:s0], s1  }
0x317: {  	s0 =	simm.s32 @!p0 $0x5  }
0x318: {  	_ =	swait.ge @!p0 [sflag:s0], s1  }
0x319: {  	s1 =	ssub.s32 @!p0 $0x0, s1;
	[sflag:s0] =	ssyncset.done @!p0 $0x0  }
0x31a: {  	[sflag:s0] =	ssyncadd.s32 @!p0 s1  }
0x31b: {  	[bflag:$0x3] =	sbarrier.arrive $0xFFFF  }
0x31c: {  	_ =	shalt  }

</sc_bundles>
